<compile_context>
chip_gen: v7x
topology: tpu7x:2x2x1
jax: 0.10.2.dev20260603
libtpu: 0.0.44.dev20260713+nightly
codegen_flags: <defaults>
</compile_context>

<pallas_src>
import functools

import jax
import jax.numpy as jnp
from jax import lax
from jax.experimental import pallas as pl
from jax.experimental.pallas import tpu as pltpu
from jax.experimental.pallas import tpu_sc as plsc

ROW = 32
NC, NS = 2, 16
NW = NC * NS
CH = 200
NBLK = 2048


def _tc_prep(feat4, edges3, n, b, t):
    bt = b * t
    grid = -(-n // NBLK)
    erows = edges3.shape[0]
    eblk = -(-erows // (grid * 8)) * 8

    def body(f_ref, e_ref, tab_ref, fc_ref, d_ref, s_ref):
        ft = f_ref[...].reshape(bt, NBLK)
        fc_ref[...] = ft
        t32 = jnp.concatenate(
            [ft, jnp.ones((1, NBLK), jnp.float32),
             jnp.zeros((ROW - bt - 1, NBLK), jnp.float32)], axis=0)
        tab_ref[...] = jnp.transpose(t32)
        e3 = e_ref[...]
        d_ref[...] = e3[:, 0, :]
        s_ref[...] = e3[:, 1, :]

    return pl.pallas_call(
        body,
        grid=(grid,),
        in_specs=[
            pl.BlockSpec((b, t, 1, NBLK), lambda i: (0, 0, 0, i)),
            pl.BlockSpec((eblk, 2, 128), lambda i: (i, 0, 0)),
        ],
        out_specs=[
            pl.BlockSpec((NBLK, ROW), lambda i: (i, 0)),
            pl.BlockSpec((bt, NBLK), lambda i: (0, i)),
            pl.BlockSpec((eblk, 128), lambda i: (i, 0)),
            pl.BlockSpec((eblk, 128), lambda i: (i, 0)),
        ],
        out_shape=[
            jax.ShapeDtypeStruct((n, ROW), jnp.float32),
            jax.ShapeDtypeStruct((bt, n), jnp.float32),
            jax.ShapeDtypeStruct((erows, 128), jnp.int32),
            jax.ShapeDtypeStruct((erows, 128), jnp.int32),
        ],
        compiler_params=pltpu.CompilerParams(
            dimension_semantics=("arbitrary",)),
    )(feat4, edges3)


def _sc_segment_sum(table, src, dst, zeros, n, e):
    edges_per_tile = e // NW
    nchunk = edges_per_tile // CH
    npad = -(-n // (NS * 8)) * (NS * 8)
    rows_per_sub = npad // NS

    mesh = plsc.VectorSubcoreMesh(core_axis_name="c", subcore_axis_name="s")

    nd = 4

    @functools.partial(
        pl.kernel,
        out_type=[jax.ShapeDtypeStruct((npad, ROW), jnp.float32),
                  jax.ShapeDtypeStruct((npad, ROW), jnp.float32)],
        mesh=mesh,
        scratch_types=(
            [pltpu.VMEM_SHARED((npad, ROW), jnp.float32)]
            + [pltpu.VMEM((CH,), jnp.int32) for _ in range(2 * nd)]
            + [pltpu.VMEM((CH, ROW), jnp.float32) for _ in range(nd)]
            + [pltpu.SemaphoreType.DMA for _ in range(3 * nd)]
        ),
        compiler_params=pltpu.CompilerParams(use_tc_tiling_on_sc=False),
    )
    def sc_kernel(table_hbm, src_hbm, dst_hbm, zeros_hbm, out0_hbm, out1_hbm,
                  acc_sh, *bufs):
        sidx = bufs[0:nd]
        didx = bufs[nd:2 * nd]
        rows = bufs[2 * nd:3 * nd]
        sg = bufs[3 * nd:4 * nd]
        si = bufs[4 * nd:5 * nd]
        ss = bufs[5 * nd:6 * nd]

        cid = lax.axis_index("c")
        sid = lax.axis_index("s")
        wid = sid * NC + cid

        pltpu.sync_copy(zeros_hbm,
                        acc_sh.at[pl.ds(sid * rows_per_sub, rows_per_sub)])
        plsc.subcore_barrier()

        base_edge = wid * edges_per_tile
        max_off = e - CH

        def idx_start(j, b):
            off = jnp.minimum(base_edge + j * CH, max_off)
            pltpu.async_copy(src_hbm.at[pl.ds(off, CH)], sidx[b], si[b])
            pltpu.async_copy(dst_hbm.at[pl.ds(off, CH)], didx[b], si[b])

        def idx_wait(b):
            pltpu.make_async_copy(src_hbm.at[pl.ds(0, CH)], sidx[b],
                                  si[b]).wait()
            pltpu.make_async_copy(dst_hbm.at[pl.ds(0, CH)], didx[b],
                                  si[b]).wait()

        def gather_start(b):
            pltpu.async_copy(table_hbm.at[sidx[b]], rows[b], sg[b])

        def gather_wait(b):
            pltpu.make_async_copy(table_hbm.at[sidx[b]], rows[b],
                                  sg[b]).wait()

        def scatter_start(b):
            pltpu.async_copy(rows[b], acc_sh.at[didx[b]], ss[b], add=True)

        def scatter_wait(b):
            pltpu.make_async_copy(rows[b], acc_sh.at[didx[b]], ss[b]).wait()

        for b in (2, 3):
            pltpu.sync_copy(zeros_hbm.at[pl.ds(0, CH)], rows[b])
            pltpu.sync_copy(dst_hbm.at[pl.ds(0, CH)], didx[b])
            scatter_start(b)
        idx_start(0, 0)
        idx_start(1, 1)
        idx_wait(0)
        gather_start(0)

        def quad(i, carry):
            for k in range(nd):
                c = nd * i + k
                b, b1, b2 = k, (k + 1) % nd, (k + 2) % nd
                idx_wait(b1)
                gather_start(b1)
                gather_wait(b)
                scatter_start(b)
                scatter_wait(b2)
                idx_start(c + 2, b2)
            return carry

        nloop = (nchunk - 2) // nd
        lax.fori_loop(0, nloop, quad, 0)

        idx_wait(1)
        gather_start(1)
        gather_wait(0)
        scatter_start(0)
        gather_wait(1)
        scatter_start(1)
        for b in range(nd):
            scatter_wait(b)

        plsc.subcore_barrier()
        sl = pl.ds(sid * rows_per_sub, rows_per_sub)

        @pl.when(cid == 0)
        def _():
            pltpu.sync_copy(acc_sh.at[sl], out0_hbm.at[sl])

        @pl.when(cid == 1)
        def _():
            pltpu.sync_copy(acc_sh.at[sl], out1_hbm.at[sl])

    return sc_kernel(table, src, dst, zeros)


def _tc_combine(p0, p1, featc, pmat, n, b, t, of2):
    bt = b * t

    def body(p0_ref, p1_ref, fc_ref, pm_ref, out_ref):
        p = p0_ref[...] + p1_ref[...]
        pt = jnp.transpose(p)
        cnt = jnp.maximum(pt[bt:bt + 1, :], 1.0)
        mean = pt[:bt, :] / cnt
        x = jnp.concatenate([fc_ref[...], mean], axis=0)
        y = jnp.dot(pm_ref[...], x,
                    preferred_element_type=jnp.float32)
        out_ref[...] = y.reshape(t, of2, b, NBLK)

    return pl.pallas_call(
        body,
        grid=(-(-n // NBLK),),
        in_specs=[
            pl.BlockSpec((NBLK, ROW), lambda i: (i, 0)),
            pl.BlockSpec((NBLK, ROW), lambda i: (i, 0)),
            pl.BlockSpec((bt, NBLK), lambda i: (0, i)),
            pl.BlockSpec((t * of2 * b, 2 * bt), lambda i: (0, 0)),
        ],
        out_specs=pl.BlockSpec((t, of2, b, NBLK), lambda i: (0, 0, 0, i)),
        out_shape=jax.ShapeDtypeStruct((t, of2, b, n), jnp.float32),
        compiler_params=pltpu.CompilerParams(
            dimension_semantics=("parallel",)),
    )(p0, p1, featc, pmat)


def kernel(features, edge_index, W):
    n, b, t, in_feat = features.shape
    e = edge_index.shape[1]
    bt = b * t

    feat4 = jnp.transpose(features, (1, 2, 3, 0))
    edges3 = edge_index.reshape(2, e // 128, 128).transpose(1, 0, 2)

    table, featc, dst2, src2 = _tc_prep(feat4, edges3, n, b, t)

    npad = -(-n // (NS * 8)) * (NS * 8)
    zeros = jnp.zeros((npad // NS, ROW), jnp.float32)

    p0, p1 = _sc_segment_sum(table, src2.reshape(e), dst2.reshape(e),
                             zeros, n, e)

    w = W.reshape(-1)
    of = w.shape[0]
    of2 = 2 * of
    kk = jnp.arange(bt)
    tt = kk % t
    bb = kk // t
    r_feat = tt * (of2 * b) + jnp.arange(of)[:, None] * b + bb[None, :]
    r_mean = r_feat + of * b
    pmat = jnp.zeros((t * of2 * b, 2 * bt), jnp.float32)
    pmat = pmat.at[r_feat.reshape(-1),
                   jnp.tile(kk, (of,))].set(jnp.repeat(w, bt))
    pmat = pmat.at[r_mean.reshape(-1),
                   jnp.tile(kk + bt, (of,))].set(jnp.repeat(w, bt))

    out_p = _tc_combine(p0, p1, featc, pmat, n, b, t, of2)
    return jnp.transpose(out_p, (3, 2, 0, 1))

# --- scband reference (transcript-rebuilt; emitter-appended) ---
"""Pipeline reference for scband-graph-conv-55336358641765 (READ-ONLY COPY).

The authoritative reference and input builder live on the scoring server;
editing this copy changes nothing except your own understanding.
"""

import jax, jax.numpy as jnp
import numpy as np

N = 50000
E = 1600000
B = 2
T = 12
IN_FEAT = 1
OUT_FEAT = 10


def setup_inputs(seed: int = 0) -> dict:
    key = jax.random.key(seed)
    k1, k2, k3 = jax.random.split(key, 3)
    features = jax.random.normal(k1, (N, B, T, IN_FEAT), dtype=jnp.float32)
    edge_index = jax.random.randint(k2, (2, E), 0, N, dtype=jnp.int32)
    # GlorotUniform for weight of shape (in_feat, out_feat)
    limit = np.sqrt(6.0 / (IN_FEAT + OUT_FEAT)).astype(np.float32)
    W = jax.random.uniform(k3, (IN_FEAT, OUT_FEAT), dtype=jnp.float32, minval=-limit, maxval=limit)
    return {"features": features, "edge_index": edge_index, "W": W}


def reference(features, edge_index, W):
    # compute_nodes_representation: features @ W
    nodes_representation = jnp.matmul(features, W)
    # compute_aggregated_messages: gather neighbours by edges[1] (src)
    neighbour_representations = jnp.take(features, edge_index[1], axis=0)
    # unsorted_segment_mean over edges[0] (dst), num_segments = num_nodes
    seg_sum = jax.ops.segment_sum(neighbour_representations, edge_index[0], num_segments=N)
    counts = jax.ops.segment_sum(jnp.ones((E,), dtype=features.dtype), edge_index[0], num_segments=N)
    safe_counts = jnp.maximum(counts, 1.0)
    aggregated = seg_sum / safe_counts[:, None, None, None]
    aggregated_messages = jnp.matmul(aggregated, W)
    # update: combination_type == 'concat', activation == None (identity)
    h = jnp.concatenate([nodes_representation, aggregated_messages], axis=-1)
    return h

if __name__ == "__main__":
    import jax
    _d = setup_inputs()
    print(jax.jit(kernel)(*tuple(_d.values())))

</pallas_src>

<mosaic_0001>
#map = affine_map<(d0, d1) -> (0, 0)>
#map1 = affine_map<(d0, d1) -> (0)>
module attributes {stable_mosaic.version = 14 : i64} {
  func.func @sc_kernel(%arg0: i32, %arg1: i32, %arg2: memref<50000x32xf32, #tpu.memory_space<hbm>>, %arg3: memref<1600000xi32, #tpu.memory_space<hbm>>, %arg4: memref<1600000xi32, #tpu.memory_space<hbm>>, %arg5: memref<3128x32xf32, #tpu.memory_space<hbm>>, %arg6: memref<50048x32xf32, #tpu.memory_space<hbm>>, %arg7: memref<50048x32xf32, #tpu.memory_space<hbm>>, %arg8: memref<50048x32xf32, #tpu.memory_space<vmem_shared>>, %arg9: memref<200xi32, #tpu.memory_space<vmem>>, %arg10: memref<200xi32, #tpu.memory_space<vmem>>, %arg11: memref<200xi32, #tpu.memory_space<vmem>>, %arg12: memref<200xi32, #tpu.memory_space<vmem>>, %arg13: memref<200xi32, #tpu.memory_space<vmem>>, %arg14: memref<200xi32, #tpu.memory_space<vmem>>, %arg15: memref<200xi32, #tpu.memory_space<vmem>>, %arg16: memref<200xi32, #tpu.memory_space<vmem>>, %arg17: memref<200x32xf32, #tpu.memory_space<vmem>>, %arg18: memref<200x32xf32, #tpu.memory_space<vmem>>, %arg19: memref<200x32xf32, #tpu.memory_space<vmem>>, %arg20: memref<200x32xf32, #tpu.memory_space<vmem>>, %arg21: memref<!tpu.dma_semaphore, #tpu.memory_space<semaphore_mem>>, %arg22: memref<!tpu.dma_semaphore, #tpu.memory_space<semaphore_mem>>, %arg23: memref<!tpu.dma_semaphore, #tpu.memory_space<semaphore_mem>>, %arg24: memref<!tpu.dma_semaphore, #tpu.memory_space<semaphore_mem>>, %arg25: memref<!tpu.dma_semaphore, #tpu.memory_space<semaphore_mem>>, %arg26: memref<!tpu.dma_semaphore, #tpu.memory_space<semaphore_mem>>, %arg27: memref<!tpu.dma_semaphore, #tpu.memory_space<semaphore_mem>>, %arg28: memref<!tpu.dma_semaphore, #tpu.memory_space<semaphore_mem>>, %arg29: memref<!tpu.dma_semaphore, #tpu.memory_space<semaphore_mem>>, %arg30: memref<!tpu.dma_semaphore, #tpu.memory_space<semaphore_mem>>, %arg31: memref<!tpu.dma_semaphore, #tpu.memory_space<semaphore_mem>>, %arg32: memref<!tpu.dma_semaphore, #tpu.memory_space<semaphore_mem>>) attributes {dimension_semantics = [#tpu.dimension_semantics<core_parallel>, #tpu.dimension_semantics<subcore_parallel>], iteration_bounds = array<i64: 2, 16>, scalar_prefetch = 0 : i64, scratch_operands = 25 : i64, tpu.core_type = #tpu.core_type<sc_vector_subcore>, window_params = [{transform_indices = #map}, {transform_indices = #map1}, {transform_indices = #map1}, {transform_indices = #map}, {transform_indices = #map}, {transform_indices = #map}]} {
    %mul3A = arith.constant 2 : i32
    %mul3A_0 = arith.muli %arg1, %mul3A : i32
    %add3A = arith.addi %mul3A_0, %arg0 : i32
    %mul3A_1 = arith.constant 3128 : i32
    %mul3A_2 = arith.muli %arg1, %mul3A_1 : i32
    "tpu.region"() ({
      %run_scoped3A = tpu.sem_alloc : memref<!tpu.dma_semaphore, #tpu.memory_space<semaphore_mem>>
      %dma_start3A_85 = arith.constant 0 : i32
      %dma_start3A_86 = tpu.memref_slice %arg8[%mul3A_2, %dma_start3A_85] : memref<50048x32xf32, #tpu.memory_space<vmem_shared>> -> memref<3128x32xf32, #tpu.memory_space<vmem_shared>>
      tpu.enqueue_dma source(%arg5 : memref<3128x32xf32, #tpu.memory_space<hbm>>) target(%dma_start3A_86 : memref<3128x32xf32, #tpu.memory_space<vmem_shared>>) target_semaphore(%run_scoped3A : memref<!tpu.dma_semaphore, #tpu.memory_space<semaphore_mem>>)
      %dma_wait3A_87 = arith.constant 0 : i32
      %dma_wait3A_88 = tpu.memref_slice %arg8[%mul3A_2, %dma_wait3A_87] : memref<50048x32xf32, #tpu.memory_space<vmem_shared>> -> memref<3128x32xf32, #tpu.memory_space<vmem_shared>>
      tpu.wait_dma2 semaphore(%run_scoped3A : memref<!tpu.dma_semaphore, #tpu.memory_space<semaphore_mem>>) src(%arg5 : memref<3128x32xf32, #tpu.memory_space<hbm>>) dst(%dma_wait3A_88 : memref<3128x32xf32, #tpu.memory_space<vmem_shared>>)
      tpu.yield
    }) : () -> ()
    %barrier3A = arith.constant 0 : index
    tpu.barrier barrier_id(%barrier3A)
    %mul3A_3 = arith.constant 50000 : i32
    %mul3A_4 = arith.muli %add3A, %mul3A_3 : i32
    "tpu.region"() ({
      %run_scoped3A = tpu.sem_alloc : memref<!tpu.dma_semaphore, #tpu.memory_space<semaphore_mem>>
      %dma_start3A_85 = arith.constant 0 : i32
      %dma_start3A_86 = arith.constant 0 : i32
      %dma_start3A_87 = tpu.memref_slice %arg5[%dma_start3A_85, %dma_start3A_86] : memref<3128x32xf32, #tpu.memory_space<hbm>> -> memref<200x32xf32, #tpu.memory_space<hbm>>
      %dma_start3A_88 = arith.constant 0 : i32
      %dma_start3A_89 = arith.constant 0 : i32
      %dma_start3A_90 = tpu.memref_slice %arg5[%dma_start3A_88, %dma_start3A_89] : memref<3128x32xf32, #tpu.memory_space<hbm>> -> memref<200x32xf32, #tpu.memory_space<hbm>>
      tpu.enqueue_dma source(%dma_start3A_90 : memref<200x32xf32, #tpu.memory_space<hbm>>) target(%arg19 : memref<200x32xf32, #tpu.memory_space<vmem>>) target_semaphore(%run_scoped3A : memref<!tpu.dma_semaphore, #tpu.memory_space<semaphore_mem>>)
      %dma_wait3A_91 = arith.constant 0 : i32
      %dma_wait3A_92 = arith.constant 0 : i32
      %dma_wait3A_93 = tpu.memref_slice %arg5[%dma_wait3A_91, %dma_wait3A_92] : memref<3128x32xf32, #tpu.memory_space<hbm>> -> memref<200x32xf32, #tpu.memory_space<hbm>>
      %dma_wait3A_94 = arith.constant 0 : i32
      %dma_wait3A_95 = arith.constant 0 : i32
      %dma_wait3A_96 = tpu.memref_slice %arg5[%dma_wait3A_94, %dma_wait3A_95] : memref<3128x32xf32, #tpu.memory_space<hbm>> -> memref<200x32xf32, #tpu.memory_space<hbm>>
      tpu.wait_dma2 semaphore(%run_scoped3A : memref<!tpu.dma_semaphore, #tpu.memory_space<semaphore_mem>>) src(%dma_wait3A_96 : memref<200x32xf32, #tpu.memory_space<hbm>>) dst(%arg19 : memref<200x32xf32, #tpu.memory_space<vmem>>)
      tpu.yield
    }) : () -> ()
    "tpu.region"() ({
      %run_scoped3A = tpu.sem_alloc : memref<!tpu.dma_semaphore, #tpu.memory_space<semaphore_mem>>
      %dma_start3A_85 = arith.constant 0 : i32
      %dma_start3A_86 = tpu.memref_slice %arg4[%dma_start3A_85] : memref<1600000xi32, #tpu.memory_space<hbm>> -> memref<200xi32, #tpu.memory_space<hbm>>
      %dma_start3A_87 = arith.constant 0 : i32
      %dma_start3A_88 = tpu.memref_slice %arg4[%dma_start3A_87] : memref<1600000xi32, #tpu.memory_space<hbm>> -> memref<200xi32, #tpu.memory_space<hbm>>
      tpu.enqueue_dma source(%dma_start3A_88 : memref<200xi32, #tpu.memory_space<hbm>>) target(%arg15 : memref<200xi32, #tpu.memory_space<vmem>>) target_semaphore(%run_scoped3A : memref<!tpu.dma_semaphore, #tpu.memory_space<semaphore_mem>>)
      %dma_wait3A_89 = arith.constant 0 : i32
      %dma_wait3A_90 = tpu.memref_slice %arg4[%dma_wait3A_89] : memref<1600000xi32, #tpu.memory_space<hbm>> -> memref<200xi32, #tpu.memory_space<hbm>>
      %dma_wait3A_91 = arith.constant 0 : i32
      %dma_wait3A_92 = tpu.memref_slice %arg4[%dma_wait3A_91] : memref<1600000xi32, #tpu.memory_space<hbm>> -> memref<200xi32, #tpu.memory_space<hbm>>
      tpu.wait_dma2 semaphore(%run_scoped3A : memref<!tpu.dma_semaphore, #tpu.memory_space<semaphore_mem>>) src(%dma_wait3A_92 : memref<200xi32, #tpu.memory_space<hbm>>) dst(%arg15 : memref<200xi32, #tpu.memory_space<vmem>>)
      tpu.yield
    }) : () -> ()
    %dma_start3A = arith.constant 0 : i32
    %dma_start3A_5 = arith.constant 0 : i32
    %dma_start3A_6 = tpu.memref_slice %arg8[%dma_start3A, %dma_start3A_5] : memref<50048x32xf32, #tpu.memory_space<vmem_shared>> -> memref<50048x32xf32, #tpu.memory_space<vmem_shared>>
    tpu.enqueue_indirect_dma source(%arg19 : memref<200x32xf32, #tpu.memory_space<vmem>>) target(%dma_start3A_6 : memref<50048x32xf32, #tpu.memory_space<vmem_shared>>) offsets(%arg15 : memref<200xi32, #tpu.memory_space<vmem>>) semaphore(%arg31 : memref<!tpu.dma_semaphore, #tpu.memory_space<semaphore_mem>>) {add = true}
    "tpu.region"() ({
      %run_scoped3A = tpu.sem_alloc : memref<!tpu.dma_semaphore, #tpu.memory_space<semaphore_mem>>
      %dma_start3A_85 = arith.constant 0 : i32
      %dma_start3A_86 = arith.constant 0 : i32
      %dma_start3A_87 = tpu.memref_slice %arg5[%dma_start3A_85, %dma_start3A_86] : memref<3128x32xf32, #tpu.memory_space<hbm>> -> memref<200x32xf32, #tpu.memory_space<hbm>>
      %dma_start3A_88 = arith.constant 0 : i32
      %dma_start3A_89 = arith.constant 0 : i32
      %dma_start3A_90 = tpu.memref_slice %arg5[%dma_start3A_88, %dma_start3A_89] : memref<3128x32xf32, #tpu.memory_space<hbm>> -> memref<200x32xf32, #tpu.memory_space<hbm>>
      tpu.enqueue_dma source(%dma_start3A_90 : memref<200x32xf32, #tpu.memory_space<hbm>>) target(%arg20 : memref<200x32xf32, #tpu.memory_space<vmem>>) target_semaphore(%run_scoped3A : memref<!tpu.dma_semaphore, #tpu.memory_space<semaphore_mem>>)
      %dma_wait3A_91 = arith.constant 0 : i32
      %dma_wait3A_92 = arith.constant 0 : i32
      %dma_wait3A_93 = tpu.memref_slice %arg5[%dma_wait3A_91, %dma_wait3A_92] : memref<3128x32xf32, #tpu.memory_space<hbm>> -> memref<200x32xf32, #tpu.memory_space<hbm>>
      %dma_wait3A_94 = arith.constant 0 : i32
      %dma_wait3A_95 = arith.constant 0 : i32
      %dma_wait3A_96 = tpu.memref_slice %arg5[%dma_wait3A_94, %dma_wait3A_95] : memref<3128x32xf32, #tpu.memory_space<hbm>> -> memref<200x32xf32, #tpu.memory_space<hbm>>
      tpu.wait_dma2 semaphore(%run_scoped3A : memref<!tpu.dma_semaphore, #tpu.memory_space<semaphore_mem>>) src(%dma_wait3A_96 : memref<200x32xf32, #tpu.memory_space<hbm>>) dst(%arg20 : memref<200x32xf32, #tpu.memory_space<vmem>>)
      tpu.yield
    }) : () -> ()
    "tpu.region"() ({
      %run_scoped3A = tpu.sem_alloc : memref<!tpu.dma_semaphore, #tpu.memory_space<semaphore_mem>>
      %dma_start3A_85 = arith.constant 0 : i32
      %dma_start3A_86 = tpu.memref_slice %arg4[%dma_start3A_85] : memref<1600000xi32, #tpu.memory_space<hbm>> -> memref<200xi32, #tpu.memory_space<hbm>>
      %dma_start3A_87 = arith.constant 0 : i32
      %dma_start3A_88 = tpu.memref_slice %arg4[%dma_start3A_87] : memref<1600000xi32, #tpu.memory_space<hbm>> -> memref<200xi32, #tpu.memory_space<hbm>>
      tpu.enqueue_dma source(%dma_start3A_88 : memref<200xi32, #tpu.memory_space<hbm>>) target(%arg16 : memref<200xi32, #tpu.memory_space<vmem>>) target_semaphore(%run_scoped3A : memref<!tpu.dma_semaphore, #tpu.memory_space<semaphore_mem>>)
      %dma_wait3A_89 = arith.constant 0 : i32
      %dma_wait3A_90 = tpu.memref_slice %arg4[%dma_wait3A_89] : memref<1600000xi32, #tpu.memory_space<hbm>> -> memref<200xi32, #tpu.memory_space<hbm>>
      %dma_wait3A_91 = arith.constant 0 : i32
      %dma_wait3A_92 = tpu.memref_slice %arg4[%dma_wait3A_91] : memref<1600000xi32, #tpu.memory_space<hbm>> -> memref<200xi32, #tpu.memory_space<hbm>>
      tpu.wait_dma2 semaphore(%run_scoped3A : memref<!tpu.dma_semaphore, #tpu.memory_space<semaphore_mem>>) src(%dma_wait3A_92 : memref<200xi32, #tpu.memory_space<hbm>>) dst(%arg16 : memref<200xi32, #tpu.memory_space<vmem>>)
      tpu.yield
    }) : () -> ()
    %dma_start3A_7 = arith.constant 0 : i32
    %dma_start3A_8 = arith.constant 0 : i32
    %dma_start3A_9 = tpu.memref_slice %arg8[%dma_start3A_7, %dma_start3A_8] : memref<50048x32xf32, #tpu.memory_space<vmem_shared>> -> memref<50048x32xf32, #tpu.memory_space<vmem_shared>>
    tpu.enqueue_indirect_dma source(%arg20 : memref<200x32xf32, #tpu.memory_space<vmem>>) target(%dma_start3A_9 : memref<50048x32xf32, #tpu.memory_space<vmem_shared>>) offsets(%arg16 : memref<200xi32, #tpu.memory_space<vmem>>) semaphore(%arg32 : memref<!tpu.dma_semaphore, #tpu.memory_space<semaphore_mem>>) {add = true}
    %add3A_10 = arith.constant 0 : i32
    %add3A_11 = arith.addi %mul3A_4, %add3A_10 : i32
    %min3A = arith.constant 1599800 : i32
    %min3A_12 = arith.minsi %add3A_11, %min3A : i32
    %dma_start3A_13 = tpu.memref_slice %arg3[%min3A_12] : memref<1600000xi32, #tpu.memory_space<hbm>> -> memref<200xi32, #tpu.memory_space<hbm>>
    %dma_start3A_14 = tpu.memref_slice %arg3[%min3A_12] : memref<1600000xi32, #tpu.memory_space<hbm>> -> memref<200xi32, #tpu.memory_space<hbm>>
    tpu.enqueue_dma source(%dma_start3A_14 : memref<200xi32, #tpu.memory_space<hbm>>) target(%arg9 : memref<200xi32, #tpu.memory_space<vmem>>) target_semaphore(%arg25 : memref<!tpu.dma_semaphore, #tpu.memory_space<semaphore_mem>>)
    %dma_start3A_15 = tpu.memref_slice %arg4[%min3A_12] : memref<1600000xi32, #tpu.memory_space<hbm>> -> memref<200xi32, #tpu.memory_space<hbm>>
    %dma_start3A_16 = tpu.memref_slice %arg4[%min3A_12] : memref<1600000xi32, #tpu.memory_space<hbm>> -> memref<200xi32, #tpu.memory_space<hbm>>
    tpu.enqueue_dma source(%dma_start3A_16 : memref<200xi32, #tpu.memory_space<hbm>>) target(%arg13 : memref<200xi32, #tpu.memory_space<vmem>>) target_semaphore(%arg25 : memref<!tpu.dma_semaphore, #tpu.memory_space<semaphore_mem>>)
    %add3A_17 = arith.constant 200 : i32
    %add3A_18 = arith.addi %mul3A_4, %add3A_17 : i32
    %min3A_19 = arith.constant 1599800 : i32
    %min3A_20 = arith.minsi %add3A_18, %min3A_19 : i32
    %dma_start3A_21 = tpu.memref_slice %arg3[%min3A_20] : memref<1600000xi32, #tpu.memory_space<hbm>> -> memref<200xi32, #tpu.memory_space<hbm>>
    %dma_start3A_22 = tpu.memref_slice %arg3[%min3A_20] : memref<1600000xi32, #tpu.memory_space<hbm>> -> memref<200xi32, #tpu.memory_space<hbm>>
    tpu.enqueue_dma source(%dma_start3A_22 : memref<200xi32, #tpu.memory_space<hbm>>) target(%arg10 : memref<200xi32, #tpu.memory_space<vmem>>) target_semaphore(%arg26 : memref<!tpu.dma_semaphore, #tpu.memory_space<semaphore_mem>>)
    %dma_start3A_23 = tpu.memref_slice %arg4[%min3A_20] : memref<1600000xi32, #tpu.memory_space<hbm>> -> memref<200xi32, #tpu.memory_space<hbm>>
    %dma_start3A_24 = tpu.memref_slice %arg4[%min3A_20] : memref<1600000xi32, #tpu.memory_space<hbm>> -> memref<200xi32, #tpu.memory_space<hbm>>
    tpu.enqueue_dma source(%dma_start3A_24 : memref<200xi32, #tpu.memory_space<hbm>>) target(%arg14 : memref<200xi32, #tpu.memory_space<vmem>>) target_semaphore(%arg26 : memref<!tpu.dma_semaphore, #tpu.memory_space<semaphore_mem>>)
    %dma_wait3A = arith.constant 0 : i32
    %dma_wait3A_25 = tpu.memref_slice %arg3[%dma_wait3A] : memref<1600000xi32, #tpu.memory_space<hbm>> -> memref<200xi32, #tpu.memory_space<hbm>>
    %dma_wait3A_26 = arith.constant 0 : i32
    %dma_wait3A_27 = tpu.memref_slice %arg3[%dma_wait3A_26] : memref<1600000xi32, #tpu.memory_space<hbm>> -> memref<200xi32, #tpu.memory_space<hbm>>
    tpu.wait_dma2 semaphore(%arg25 : memref<!tpu.dma_semaphore, #tpu.memory_space<semaphore_mem>>) src(%dma_wait3A_27 : memref<200xi32, #tpu.memory_space<hbm>>) dst(%arg9 : memref<200xi32, #tpu.memory_space<vmem>>)
    %dma_wait3A_28 = arith.constant 0 : i32
    %dma_wait3A_29 = tpu.memref_slice %arg4[%dma_wait3A_28] : memref<1600000xi32, #tpu.memory_space<hbm>> -> memref<200xi32, #tpu.memory_space<hbm>>
    %dma_wait3A_30 = arith.constant 0 : i32
    %dma_wait3A_31 = tpu.memref_slice %arg4[%dma_wait3A_30] : memref<1600000xi32, #tpu.memory_space<hbm>> -> memref<200xi32, #tpu.memory_space<hbm>>
    tpu.wait_dma2 semaphore(%arg25 : memref<!tpu.dma_semaphore, #tpu.memory_space<semaphore_mem>>) src(%dma_wait3A_31 : memref<200xi32, #tpu.memory_space<hbm>>) dst(%arg13 : memref<200xi32, #tpu.memory_space<vmem>>)
    %dma_start3A_32 = arith.constant 0 : i32
    %dma_start3A_33 = arith.constant 0 : i32
    %dma_start3A_34 = tpu.memref_slice %arg2[%dma_start3A_32, %dma_start3A_33] : memref<50000x32xf32, #tpu.memory_space<hbm>> -> memref<50000x32xf32, #tpu.memory_space<hbm>>
    tpu.enqueue_indirect_dma source(%dma_start3A_34 : memref<50000x32xf32, #tpu.memory_space<hbm>>) target(%arg17 : memref<200x32xf32, #tpu.memory_space<vmem>>) offsets(%arg9 : memref<200xi32, #tpu.memory_space<vmem>>) semaphore(%arg21 : memref<!tpu.dma_semaphore, #tpu.memory_space<semaphore_mem>>)
    %scan3A = arith.constant 0 : i32
    %scan3A_35 = arith.constant 0 : i32
    %scan3A_36 = arith.constant 62 : i32
    %scan3A_37 = arith.addi %scan3A_35, %scan3A_36 : i32
    %scan3A_38 = arith.constant 1 : i32
    scf.for %scan3A_85 = %scan3A_35 to %scan3A_37 step %scan3A_38  : i32 {
      %mul3A_86 = arith.constant 4 : i32
      %mul3A_87 = arith.muli %mul3A_86, %scan3A_85 : i32
      %add3A_88 = arith.constant 0 : i32
      %add3A_89 = arith.addi %mul3A_87, %add3A_88 : i32
      %dma_wait3A_90 = arith.constant 0 : i32
      %dma_wait3A_91 = tpu.memref_slice %arg3[%dma_wait3A_90] : memref<1600000xi32, #tpu.memory_space<hbm>> -> memref<200xi32, #tpu.memory_space<hbm>>
      %dma_wait3A_92 = arith.constant 0 : i32
      %dma_wait3A_93 = tpu.memref_slice %arg3[%dma_wait3A_92] : memref<1600000xi32, #tpu.memory_space<hbm>> -> memref<200xi32, #tpu.memory_space<hbm>>
      tpu.wait_dma2 semaphore(%arg26 : memref<!tpu.dma_semaphore, #tpu.memory_space<semaphore_mem>>) src(%dma_wait3A_93 : memref<200xi32, #tpu.memory_space<hbm>>) dst(%arg10 : memref<200xi32, #tpu.memory_space<vmem>>)
      %dma_wait3A_94 = arith.constant 0 : i32
      %dma_wait3A_95 = tpu.memref_slice %arg4[%dma_wait3A_94] : memref<1600000xi32, #tpu.memory_space<hbm>> -> memref<200xi32, #tpu.memory_space<hbm>>
      %dma_wait3A_96 = arith.constant 0 : i32
      %dma_wait3A_97 = tpu.memref_slice %arg4[%dma_wait3A_96] : memref<1600000xi32, #tpu.memory_space<hbm>> -> memref<200xi32, #tpu.memory_space<hbm>>
      tpu.wait_dma2 semaphore(%arg26 : memref<!tpu.dma_semaphore, #tpu.memory_space<semaphore_mem>>) src(%dma_wait3A_97 : memref<200xi32, #tpu.memory_space<hbm>>) dst(%arg14 : memref<200xi32, #tpu.memory_space<vmem>>)
      %dma_start3A_98 = arith.constant 0 : i32
      %dma_start3A_99 = arith.constant 0 : i32
      %dma_start3A_100 = tpu.memref_slice %arg2[%dma_start3A_98, %dma_start3A_99] : memref<50000x32xf32, #tpu.memory_space<hbm>> -> memref<50000x32xf32, #tpu.memory_space<hbm>>
      tpu.enqueue_indirect_dma source(%dma_start3A_100 : memref<50000x32xf32, #tpu.memory_space<hbm>>) target(%arg18 : memref<200x32xf32, #tpu.memory_space<vmem>>) offsets(%arg10 : memref<200xi32, #tpu.memory_space<vmem>>) semaphore(%arg22 : memref<!tpu.dma_semaphore, #tpu.memory_space<semaphore_mem>>)
      %dma_wait3A_101 = arith.constant 0 : i32
      %dma_wait3A_102 = arith.constant 0 : i32
      %dma_wait3A_103 = tpu.memref_slice %arg2[%dma_wait3A_101, %dma_wait3A_102] : memref<50000x32xf32, #tpu.memory_space<hbm>> -> memref<50000x32xf32, #tpu.memory_space<hbm>>
      tpu.wait_indirect_dma semaphore(%arg21 : memref<!tpu.dma_semaphore, #tpu.memory_space<semaphore_mem>>) src(%dma_wait3A_103 : memref<50000x32xf32, #tpu.memory_space<hbm>>) dst(%arg17 : memref<200x32xf32, #tpu.memory_space<vmem>>)
      %dma_start3A_104 = arith.constant 0 : i32
      %dma_start3A_105 = arith.constant 0 : i32
      %dma_start3A_106 = tpu.memref_slice %arg8[%dma_start3A_104, %dma_start3A_105] : memref<50048x32xf32, #tpu.memory_space<vmem_shared>> -> memref<50048x32xf32, #tpu.memory_space<vmem_shared>>
      tpu.enqueue_indirect_dma source(%arg17 : memref<200x32xf32, #tpu.memory_space<vmem>>) target(%dma_start3A_106 : memref<50048x32xf32, #tpu.memory_space<vmem_shared>>) offsets(%arg13 : memref<200xi32, #tpu.memory_space<vmem>>) semaphore(%arg29 : memref<!tpu.dma_semaphore, #tpu.memory_space<semaphore_mem>>) {add = true}
      %dma_wait3A_107 = arith.constant 0 : i32
      %dma_wait3A_108 = arith.constant 0 : i32
      %dma_wait3A_109 = tpu.memref_slice %arg8[%dma_wait3A_107, %dma_wait3A_108] : memref<50048x32xf32, #tpu.memory_space<vmem_shared>> -> memref<50048x32xf32, #tpu.memory_space<vmem_shared>>
      tpu.wait_indirect_dma semaphore(%arg31 : memref<!tpu.dma_semaphore, #tpu.memory_space<semaphore_mem>>) src(%arg19 : memref<200x32xf32, #tpu.memory_space<vmem>>) dst(%dma_wait3A_109 : memref<50048x32xf32, #tpu.memory_space<vmem_shared>>)
      %add3A_110 = arith.constant 2 : i32
      %add3A_111 = arith.addi %add3A_89, %add3A_110 : i32
      %mul3A_112 = arith.constant 200 : i32
      %mul3A_113 = arith.muli %add3A_111, %mul3A_112 : i32
      %add3A_114 = arith.addi %mul3A_4, %mul3A_113 : i32
      %min3A_115 = arith.constant 1599800 : i32
      %min3A_116 = arith.minsi %add3A_114, %min3A_115 : i32
      %dma_start3A_117 = tpu.memref_slice %arg3[%min3A_116] : memref<1600000xi32, #tpu.memory_space<hbm>> -> memref<200xi32, #tpu.memory_space<hbm>>
      %dma_start3A_118 = tpu.memref_slice %arg3[%min3A_116] : memref<1600000xi32, #tpu.memory_space<hbm>> -> memref<200xi32, #tpu.memory_space<hbm>>
      tpu.enqueue_dma source(%dma_start3A_118 : memref<200xi32, #tpu.memory_space<hbm>>) target(%arg11 : memref<200xi32, #tpu.memory_space<vmem>>) target_semaphore(%arg27 : memref<!tpu.dma_semaphore, #tpu.memory_space<semaphore_mem>>)
      %dma_start3A_119 = tpu.memref_slice %arg4[%min3A_116] : memref<1600000xi32, #tpu.memory_space<hbm>> -> memref<200xi32, #tpu.memory_space<hbm>>
      %dma_start3A_120 = tpu.memref_slice %arg4[%min3A_116] : memref<1600000xi32, #tpu.memory_space<hbm>> -> memref<200xi32, #tpu.memory_space<hbm>>
      tpu.enqueue_dma source(%dma_start3A_120 : memref<200xi32, #tpu.memory_space<hbm>>) target(%arg15 : memref<200xi32, #tpu.memory_space<vmem>>) target_semaphore(%arg27 : memref<!tpu.dma_semaphore, #tpu.memory_space<semaphore_mem>>)
      %mul3A_121 = arith.constant 4 : i32
      %mul3A_122 = arith.muli %mul3A_121, %scan3A_85 : i32
      %add3A_123 = arith.constant 1 : i32
      %add3A_124 = arith.addi %mul3A_122, %add3A_123 : i32
      %dma_wait3A_125 = arith.constant 0 : i32
      %dma_wait3A_126 = tpu.memref_slice %arg3[%dma_wait3A_125] : memref<1600000xi32, #tpu.memory_space<hbm>> -> memref<200xi32, #tpu.memory_space<hbm>>
      %dma_wait3A_127 = arith.constant 0 : i32
      %dma_wait3A_128 = tpu.memref_slice %arg3[%dma_wait3A_127] : memref<1600000xi32, #tpu.memory_space<hbm>> -> memref<200xi32, #tpu.memory_space<hbm>>
      tpu.wait_dma2 semaphore(%arg27 : memref<!tpu.dma_semaphore, #tpu.memory_space<semaphore_mem>>) src(%dma_wait3A_128 : memref<200xi32, #tpu.memory_space<hbm>>) dst(%arg11 : memref<200xi32, #tpu.memory_space<vmem>>)
      %dma_wait3A_129 = arith.constant 0 : i32
      %dma_wait3A_130 = tpu.memref_slice %arg4[%dma_wait3A_129] : memref<1600000xi32, #tpu.memory_space<hbm>> -> memref<200xi32, #tpu.memory_space<hbm>>
      %dma_wait3A_131 = arith.constant 0 : i32
      %dma_wait3A_132 = tpu.memref_slice %arg4[%dma_wait3A_131] : memref<1600000xi32, #tpu.memory_space<hbm>> -> memref<200xi32, #tpu.memory_space<hbm>>
      tpu.wait_dma2 semaphore(%arg27 : memref<!tpu.dma_semaphore, #tpu.memory_space<semaphore_mem>>) src(%dma_wait3A_132 : memref<200xi32, #tpu.memory_space<hbm>>) dst(%arg15 : memref<200xi32, #tpu.memory_space<vmem>>)
      %dma_start3A_133 = arith.constant 0 : i32
      %dma_start3A_134 = arith.constant 0 : i32
      %dma_start3A_135 = tpu.memref_slice %arg2[%dma_start3A_133, %dma_start3A_134] : memref<50000x32xf32, #tpu.memory_space<hbm>> -> memref<50000x32xf32, #tpu.memory_space<hbm>>
      tpu.enqueue_indirect_dma source(%dma_start3A_135 : memref<50000x32xf32, #tpu.memory_space<hbm>>) target(%arg19 : memref<200x32xf32, #tpu.memory_space<vmem>>) offsets(%arg11 : memref<200xi32, #tpu.memory_space<vmem>>) semaphore(%arg23 : memref<!tpu.dma_semaphore, #tpu.memory_space<semaphore_mem>>)
      %dma_wait3A_136 = arith.constant 0 : i32
      %dma_wait3A_137 = arith.constant 0 : i32
      %dma_wait3A_138 = tpu.memref_slice %arg2[%dma_wait3A_136, %dma_wait3A_137] : memref<50000x32xf32, #tpu.memory_space<hbm>> -> memref<50000x32xf32, #tpu.memory_space<hbm>>
      tpu.wait_indirect_dma semaphore(%arg22 : memref<!tpu.dma_semaphore, #tpu.memory_space<semaphore_mem>>) src(%dma_wait3A_138 : memref<50000x32xf32, #tpu.memory_space<hbm>>) dst(%arg18 : memref<200x32xf32, #tpu.memory_space<vmem>>)
      %dma_start3A_139 = arith.constant 0 : i32
      %dma_start3A_140 = arith.constant 0 : i32
      %dma_start3A_141 = tpu.memref_slice %arg8[%dma_start3A_139, %dma_start3A_140] : memref<50048x32xf32, #tpu.memory_space<vmem_shared>> -> memref<50048x32xf32, #tpu.memory_space<vmem_shared>>
      tpu.enqueue_indirect_dma source(%arg18 : memref<200x32xf32, #tpu.memory_space<vmem>>) target(%dma_start3A_141 : memref<50048x32xf32, #tpu.memory_space<vmem_shared>>) offsets(%arg14 : memref<200xi32, #tpu.memory_space<vmem>>) semaphore(%arg30 : memref<!tpu.dma_semaphore, #tpu.memory_space<semaphore_mem>>) {add = true}
      %dma_wait3A_142 = arith.constant 0 : i32
      %dma_wait3A_143 = arith.constant 0 : i32
      %dma_wait3A_144 = tpu.memref_slice %arg8[%dma_wait3A_142, %dma_wait3A_143] : memref<50048x32xf32, #tpu.memory_space<vmem_shared>> -> memref<50048x32xf32, #tpu.memory_space<vmem_shared>>
      tpu.wait_indirect_dma semaphore(%arg32 : memref<!tpu.dma_semaphore, #tpu.memory_space<semaphore_mem>>) src(%arg20 : memref<200x32xf32, #tpu.memory_space<vmem>>) dst(%dma_wait3A_144 : memref<50048x32xf32, #tpu.memory_space<vmem_shared>>)
      %add3A_145 = arith.constant 2 : i32
      %add3A_146 = arith.addi %add3A_124, %add3A_145 : i32
      %mul3A_147 = arith.constant 200 : i32
      %mul3A_148 = arith.muli %add3A_146, %mul3A_147 : i32
      %add3A_149 = arith.addi %mul3A_4, %mul3A_148 : i32
      %min3A_150 = arith.constant 1599800 : i32
      %min3A_151 = arith.minsi %add3A_149, %min3A_150 : i32
      %dma_start3A_152 = tpu.memref_slice %arg3[%min3A_151] : memref<1600000xi32, #tpu.memory_space<hbm>> -> memref<200xi32, #tpu.memory_space<hbm>>
      %dma_start3A_153 = tpu.memref_slice %arg3[%min3A_151] : memref<1600000xi32, #tpu.memory_space<hbm>> -> memref<200xi32, #tpu.memory_space<hbm>>
      tpu.enqueue_dma source(%dma_start3A_153 : memref<200xi32, #tpu.memory_space<hbm>>) target(%arg12 : memref<200xi32, #tpu.memory_space<vmem>>) target_semaphore(%arg28 : memref<!tpu.dma_semaphore, #tpu.memory_space<semaphore_mem>>)
      %dma_start3A_154 = tpu.memref_slice %arg4[%min3A_151] : memref<1600000xi32, #tpu.memory_space<hbm>> -> memref<200xi32, #tpu.memory_space<hbm>>
      %dma_start3A_155 = tpu.memref_slice %arg4[%min3A_151] : memref<1600000xi32, #tpu.memory_space<hbm>> -> memref<200xi32, #tpu.memory_space<hbm>>
      tpu.enqueue_dma source(%dma_start3A_155 : memref<200xi32, #tpu.memory_space<hbm>>) target(%arg16 : memref<200xi32, #tpu.memory_space<vmem>>) target_semaphore(%arg28 : memref<!tpu.dma_semaphore, #tpu.memory_space<semaphore_mem>>)
      %mul3A_156 = arith.constant 4 : i32
      %mul3A_157 = arith.muli %mul3A_156, %scan3A_85 : i32
      %add3A_158 = arith.constant 2 : i32
      %add3A_159 = arith.addi %mul3A_157, %add3A_158 : i32
      %dma_wait3A_160 = arith.constant 0 : i32
      %dma_wait3A_161 = tpu.memref_slice %arg3[%dma_wait3A_160] : memref<1600000xi32, #tpu.memory_space<hbm>> -> memref<200xi32, #tpu.memory_space<hbm>>
      %dma_wait3A_162 = arith.constant 0 : i32
      %dma_wait3A_163 = tpu.memref_slice %arg3[%dma_wait3A_162] : memref<1600000xi32, #tpu.memory_space<hbm>> -> memref<200xi32, #tpu.memory_space<hbm>>
      tpu.wait_dma2 semaphore(%arg28 : memref<!tpu.dma_semaphore, #tpu.memory_space<semaphore_mem>>) src(%dma_wait3A_163 : memref<200xi32, #tpu.memory_space<hbm>>) dst(%arg12 : memref<200xi32, #tpu.memory_space<vmem>>)
      %dma_wait3A_164 = arith.constant 0 : i32
      %dma_wait3A_165 = tpu.memref_slice %arg4[%dma_wait3A_164] : memref<1600000xi32, #tpu.memory_space<hbm>> -> memref<200xi32, #tpu.memory_space<hbm>>
      %dma_wait3A_166 = arith.constant 0 : i32
      %dma_wait3A_167 = tpu.memref_slice %arg4[%dma_wait3A_166] : memref<1600000xi32, #tpu.memory_space<hbm>> -> memref<200xi32, #tpu.memory_space<hbm>>
      tpu.wait_dma2 semaphore(%arg28 : memref<!tpu.dma_semaphore, #tpu.memory_space<semaphore_mem>>) src(%dma_wait3A_167 : memref<200xi32, #tpu.memory_space<hbm>>) dst(%arg16 : memref<200xi32, #tpu.memory_space<vmem>>)
      %dma_start3A_168 = arith.constant 0 : i32
      %dma_start3A_169 = arith.constant 0 : i32
      %dma_start3A_170 = tpu.memref_slice %arg2[%dma_start3A_168, %dma_start3A_169] : memref<50000x32xf32, #tpu.memory_space<hbm>> -> memref<50000x32xf32, #tpu.memory_space<hbm>>
      tpu.enqueue_indirect_dma source(%dma_start3A_170 : memref<50000x32xf32, #tpu.memory_space<hbm>>) target(%arg20 : memref<200x32xf32, #tpu.memory_space<vmem>>) offsets(%arg12 : memref<200xi32, #tpu.memory_space<vmem>>) semaphore(%arg24 : memref<!tpu.dma_semaphore, #tpu.memory_space<semaphore_mem>>)
      %dma_wait3A_171 = arith.constant 0 : i32
      %dma_wait3A_172 = arith.constant 0 : i32
      %dma_wait3A_173 = tpu.memref_slice %arg2[%dma_wait3A_171, %dma_wait3A_172] : memref<50000x32xf32, #tpu.memory_space<hbm>> -> memref<50000x32xf32, #tpu.memory_space<hbm>>
      tpu.wait_indirect_dma semaphore(%arg23 : memref<!tpu.dma_semaphore, #tpu.memory_space<semaphore_mem>>) src(%dma_wait3A_173 : memref<50000x32xf32, #tpu.memory_space<hbm>>) dst(%arg19 : memref<200x32xf32, #tpu.memory_space<vmem>>)
      %dma_start3A_174 = arith.constant 0 : i32
      %dma_start3A_175 = arith.constant 0 : i32
      %dma_start3A_176 = tpu.memref_slice %arg8[%dma_start3A_174, %dma_start3A_175] : memref<50048x32xf32, #tpu.memory_space<vmem_shared>> -> memref<50048x32xf32, #tpu.memory_space<vmem_shared>>
      tpu.enqueue_indirect_dma source(%arg19 : memref<200x32xf32, #tpu.memory_space<vmem>>) target(%dma_start3A_176 : memref<50048x32xf32, #tpu.memory_space<vmem_shared>>) offsets(%arg15 : memref<200xi32, #tpu.memory_space<vmem>>) semaphore(%arg31 : memref<!tpu.dma_semaphore, #tpu.memory_space<semaphore_mem>>) {add = true}
      %dma_wait3A_177 = arith.constant 0 : i32
      %dma_wait3A_178 = arith.constant 0 : i32
      %dma_wait3A_179 = tpu.memref_slice %arg8[%dma_wait3A_177, %dma_wait3A_178] : memref<50048x32xf32, #tpu.memory_space<vmem_shared>> -> memref<50048x32xf32, #tpu.memory_space<vmem_shared>>
      tpu.wait_indirect_dma semaphore(%arg29 : memref<!tpu.dma_semaphore, #tpu.memory_space<semaphore_mem>>) src(%arg17 : memref<200x32xf32, #tpu.memory_space<vmem>>) dst(%dma_wait3A_179 : memref<50048x32xf32, #tpu.memory_space<vmem_shared>>)
      %add3A_180 = arith.constant 2 : i32
      %add3A_181 = arith.addi %add3A_159, %add3A_180 : i32
      %mul3A_182 = arith.constant 200 : i32
      %mul3A_183 = arith.muli %add3A_181, %mul3A_182 : i32
      %add3A_184 = arith.addi %mul3A_4, %mul3A_183 : i32
      %min3A_185 = arith.constant 1599800 : i32
      %min3A_186 = arith.minsi %add3A_184, %min3A_185 : i32
      %dma_start3A_187 = tpu.memref_slice %arg3[%min3A_186] : memref<1600000xi32, #tpu.memory_space<hbm>> -> memref<200xi32, #tpu.memory_space<hbm>>
      %dma_start3A_188 = tpu.memref_slice %arg3[%min3A_186] : memref<1600000xi32, #tpu.memory_space<hbm>> -> memref<200xi32, #tpu.memory_space<hbm>>
      tpu.enqueue_dma source(%dma_start3A_188 : memref<200xi32, #tpu.memory_space<hbm>>) target(%arg9 : memref<200xi32, #tpu.memory_space<vmem>>) target_semaphore(%arg25 : memref<!tpu.dma_semaphore, #tpu.memory_space<semaphore_mem>>)
      %dma_start3A_189 = tpu.memref_slice %arg4[%min3A_186] : memref<1600000xi32, #tpu.memory_space<hbm>> -> memref<200xi32, #tpu.memory_space<hbm>>
      %dma_start3A_190 = tpu.memref_slice %arg4[%min3A_186] : memref<1600000xi32, #tpu.memory_space<hbm>> -> memref<200xi32, #tpu.memory_space<hbm>>
      tpu.enqueue_dma source(%dma_start3A_190 : memref<200xi32, #tpu.memory_space<hbm>>) target(%arg13 : memref<200xi32, #tpu.memory_space<vmem>>) target_semaphore(%arg25 : memref<!tpu.dma_semaphore, #tpu.memory_space<semaphore_mem>>)
      %mul3A_191 = arith.constant 4 : i32
      %mul3A_192 = arith.muli %mul3A_191, %scan3A_85 : i32
      %add3A_193 = arith.constant 3 : i32
      %add3A_194 = arith.addi %mul3A_192, %add3A_193 : i32
      %dma_wait3A_195 = arith.constant 0 : i32
      %dma_wait3A_196 = tpu.memref_slice %arg3[%dma_wait3A_195] : memref<1600000xi32, #tpu.memory_space<hbm>> -> memref<200xi32, #tpu.memory_space<hbm>>
      %dma_wait3A_197 = arith.constant 0 : i32
      %dma_wait3A_198 = tpu.memref_slice %arg3[%dma_wait3A_197] : memref<1600000xi32, #tpu.memory_space<hbm>> -> memref<200xi32, #tpu.memory_space<hbm>>
      tpu.wait_dma2 semaphore(%arg25 : memref<!tpu.dma_semaphore, #tpu.memory_space<semaphore_mem>>) src(%dma_wait3A_198 : memref<200xi32, #tpu.memory_space<hbm>>) dst(%arg9 : memref<200xi32, #tpu.memory_space<vmem>>)
      %dma_wait3A_199 = arith.constant 0 : i32
      %dma_wait3A_200 = tpu.memref_slice %arg4[%dma_wait3A_199] : memref<1600000xi32, #tpu.memory_space<hbm>> -> memref<200xi32, #tpu.memory_space<hbm>>
      %dma_wait3A_201 = arith.constant 0 : i32
      %dma_wait3A_202 = tpu.memref_slice %arg4[%dma_wait3A_201] : memref<1600000xi32, #tpu.memory_space<hbm>> -> memref<200xi32, #tpu.memory_space<hbm>>
      tpu.wait_dma2 semaphore(%arg25 : memref<!tpu.dma_semaphore, #tpu.memory_space<semaphore_mem>>) src(%dma_wait3A_202 : memref<200xi32, #tpu.memory_space<hbm>>) dst(%arg13 : memref<200xi32, #tpu.memory_space<vmem>>)
      %dma_start3A_203 = arith.constant 0 : i32
      %dma_start3A_204 = arith.constant 0 : i32
      %dma_start3A_205 = tpu.memref_slice %arg2[%dma_start3A_203, %dma_start3A_204] : memref<50000x32xf32, #tpu.memory_space<hbm>> -> memref<50000x32xf32, #tpu.memory_space<hbm>>
      tpu.enqueue_indirect_dma source(%dma_start3A_205 : memref<50000x32xf32, #tpu.memory_space<hbm>>) target(%arg17 : memref<200x32xf32, #tpu.memory_space<vmem>>) offsets(%arg9 : memref<200xi32, #tpu.memory_space<vmem>>) semaphore(%arg21 : memref<!tpu.dma_semaphore, #tpu.memory_space<semaphore_mem>>)
      %dma_wait3A_206 = arith.constant 0 : i32
      %dma_wait3A_207 = arith.constant 0 : i32
      %dma_wait3A_208 = tpu.memref_slice %arg2[%dma_wait3A_206, %dma_wait3A_207] : memref<50000x32xf32, #tpu.memory_space<hbm>> -> memref<50000x32xf32, #tpu.memory_space<hbm>>
      tpu.wait_indirect_dma semaphore(%arg24 : memref<!tpu.dma_semaphore, #tpu.memory_space<semaphore_mem>>) src(%dma_wait3A_208 : memref<50000x32xf32, #tpu.memory_space<hbm>>) dst(%arg20 : memref<200x32xf32, #tpu.memory_space<vmem>>)
      %dma_start3A_209 = arith.constant 0 : i32
      %dma_start3A_210 = arith.constant 0 : i32
      %dma_start3A_211 = tpu.memref_slice %arg8[%dma_start3A_209, %dma_start3A_210] : memref<50048x32xf32, #tpu.memory_space<vmem_shared>> -> memref<50048x32xf32, #tpu.memory_space<vmem_shared>>
      tpu.enqueue_indirect_dma source(%arg20 : memref<200x32xf32, #tpu.memory_space<vmem>>) target(%dma_start3A_211 : memref<50048x32xf32, #tpu.memory_space<vmem_shared>>) offsets(%arg16 : memref<200xi32, #tpu.memory_space<vmem>>) semaphore(%arg32 : memref<!tpu.dma_semaphore, #tpu.memory_space<semaphore_mem>>) {add = true}
      %dma_wait3A_212 = arith.constant 0 : i32
      %dma_wait3A_213 = arith.constant 0 : i32
      %dma_wait3A_214 = tpu.memref_slice %arg8[%dma_wait3A_212, %dma_wait3A_213] : memref<50048x32xf32, #tpu.memory_space<vmem_shared>> -> memref<50048x32xf32, #tpu.memory_space<vmem_shared>>
      tpu.wait_indirect_dma semaphore(%arg30 : memref<!tpu.dma_semaphore, #tpu.memory_space<semaphore_mem>>) src(%arg18 : memref<200x32xf32, #tpu.memory_space<vmem>>) dst(%dma_wait3A_214 : memref<50048x32xf32, #tpu.memory_space<vmem_shared>>)
      %add3A_215 = arith.constant 2 : i32
      %add3A_216 = arith.addi %add3A_194, %add3A_215 : i32
      %mul3A_217 = arith.constant 200 : i32
      %mul3A_218 = arith.muli %add3A_216, %mul3A_217 : i32
      %add3A_219 = arith.addi %mul3A_4, %mul3A_218 : i32
      %min3A_220 = arith.constant 1599800 : i32
      %min3A_221 = arith.minsi %add3A_219, %min3A_220 : i32
      %dma_start3A_222 = tpu.memref_slice %arg3[%min3A_221] : memref<1600000xi32, #tpu.memory_space<hbm>> -> memref<200xi32, #tpu.memory_space<hbm>>
      %dma_start3A_223 = tpu.memref_slice %arg3[%min3A_221] : memref<1600000xi32, #tpu.memory_space<hbm>> -> memref<200xi32, #tpu.memory_space<hbm>>
      tpu.enqueue_dma source(%dma_start3A_223 : memref<200xi32, #tpu.memory_space<hbm>>) target(%arg10 : memref<200xi32, #tpu.memory_space<vmem>>) target_semaphore(%arg26 : memref<!tpu.dma_semaphore, #tpu.memory_space<semaphore_mem>>)
      %dma_start3A_224 = tpu.memref_slice %arg4[%min3A_221] : memref<1600000xi32, #tpu.memory_space<hbm>> -> memref<200xi32, #tpu.memory_space<hbm>>
      %dma_start3A_225 = tpu.memref_slice %arg4[%min3A_221] : memref<1600000xi32, #tpu.memory_space<hbm>> -> memref<200xi32, #tpu.memory_space<hbm>>
      tpu.enqueue_dma source(%dma_start3A_225 : memref<200xi32, #tpu.memory_space<hbm>>) target(%arg14 : memref<200xi32, #tpu.memory_space<vmem>>) target_semaphore(%arg26 : memref<!tpu.dma_semaphore, #tpu.memory_space<semaphore_mem>>)
    }
    %scan3A_39 = arith.constant 62 : i32
    %dma_wait3A_40 = arith.constant 0 : i32
    %dma_wait3A_41 = tpu.memref_slice %arg3[%dma_wait3A_40] : memref<1600000xi32, #tpu.memory_space<hbm>> -> memref<200xi32, #tpu.memory_space<hbm>>
    %dma_wait3A_42 = arith.constant 0 : i32
    %dma_wait3A_43 = tpu.memref_slice %arg3[%dma_wait3A_42] : memref<1600000xi32, #tpu.memory_space<hbm>> -> memref<200xi32, #tpu.memory_space<hbm>>
    tpu.wait_dma2 semaphore(%arg26 : memref<!tpu.dma_semaphore, #tpu.memory_space<semaphore_mem>>) src(%dma_wait3A_43 : memref<200xi32, #tpu.memory_space<hbm>>) dst(%arg10 : memref<200xi32, #tpu.memory_space<vmem>>)
    %dma_wait3A_44 = arith.constant 0 : i32
    %dma_wait3A_45 = tpu.memref_slice %arg4[%dma_wait3A_44] : memref<1600000xi32, #tpu.memory_space<hbm>> -> memref<200xi32, #tpu.memory_space<hbm>>
    %dma_wait3A_46 = arith.constant 0 : i32
    %dma_wait3A_47 = tpu.memref_slice %arg4[%dma_wait3A_46] : memref<1600000xi32, #tpu.memory_space<hbm>> -> memref<200xi32, #tpu.memory_space<hbm>>
    tpu.wait_dma2 semaphore(%arg26 : memref<!tpu.dma_semaphore, #tpu.memory_space<semaphore_mem>>) src(%dma_wait3A_47 : memref<200xi32, #tpu.memory_space<hbm>>) dst(%arg14 : memref<200xi32, #tpu.memory_space<vmem>>)
    %dma_start3A_48 = arith.constant 0 : i32
    %dma_start3A_49 = arith.constant 0 : i32
    %dma_start3A_50 = tpu.memref_slice %arg2[%dma_start3A_48, %dma_start3A_49] : memref<50000x32xf32, #tpu.memory_space<hbm>> -> memref<50000x32xf32, #tpu.memory_space<hbm>>
    tpu.enqueue_indirect_dma source(%dma_start3A_50 : memref<50000x32xf32, #tpu.memory_space<hbm>>) target(%arg18 : memref<200x32xf32, #tpu.memory_space<vmem>>) offsets(%arg10 : memref<200xi32, #tpu.memory_space<vmem>>) semaphore(%arg22 : memref<!tpu.dma_semaphore, #tpu.memory_space<semaphore_mem>>)
    %dma_wait3A_51 = arith.constant 0 : i32
    %dma_wait3A_52 = arith.constant 0 : i32
    %dma_wait3A_53 = tpu.memref_slice %arg2[%dma_wait3A_51, %dma_wait3A_52] : memref<50000x32xf32, #tpu.memory_space<hbm>> -> memref<50000x32xf32, #tpu.memory_space<hbm>>
    tpu.wait_indirect_dma semaphore(%arg21 : memref<!tpu.dma_semaphore, #tpu.memory_space<semaphore_mem>>) src(%dma_wait3A_53 : memref<50000x32xf32, #tpu.memory_space<hbm>>) dst(%arg17 : memref<200x32xf32, #tpu.memory_space<vmem>>)
    %dma_start3A_54 = arith.constant 0 : i32
    %dma_start3A_55 = arith.constant 0 : i32
    %dma_start3A_56 = tpu.memref_slice %arg8[%dma_start3A_54, %dma_start3A_55] : memref<50048x32xf32, #tpu.memory_space<vmem_shared>> -> memref<50048x32xf32, #tpu.memory_space<vmem_shared>>
    tpu.enqueue_indirect_dma source(%arg17 : memref<200x32xf32, #tpu.memory_space<vmem>>) target(%dma_start3A_56 : memref<50048x32xf32, #tpu.memory_space<vmem_shared>>) offsets(%arg13 : memref<200xi32, #tpu.memory_space<vmem>>) semaphore(%arg29 : memref<!tpu.dma_semaphore, #tpu.memory_space<semaphore_mem>>) {add = true}
    %dma_wait3A_57 = arith.constant 0 : i32
    %dma_wait3A_58 = arith.constant 0 : i32
    %dma_wait3A_59 = tpu.memref_slice %arg2[%dma_wait3A_57, %dma_wait3A_58] : memref<50000x32xf32, #tpu.memory_space<hbm>> -> memref<50000x32xf32, #tpu.memory_space<hbm>>
    tpu.wait_indirect_dma semaphore(%arg22 : memref<!tpu.dma_semaphore, #tpu.memory_space<semaphore_mem>>) src(%dma_wait3A_59 : memref<50000x32xf32, #tpu.memory_space<hbm>>) dst(%arg18 : memref<200x32xf32, #tpu.memory_space<vmem>>)
    %dma_start3A_60 = arith.constant 0 : i32
    %dma_start3A_61 = arith.constant 0 : i32
    %dma_start3A_62 = tpu.memref_slice %arg8[%dma_start3A_60, %dma_start3A_61] : memref<50048x32xf32, #tpu.memory_space<vmem_shared>> -> memref<50048x32xf32, #tpu.memory_space<vmem_shared>>
    tpu.enqueue_indirect_dma source(%arg18 : memref<200x32xf32, #tpu.memory_space<vmem>>) target(%dma_start3A_62 : memref<50048x32xf32, #tpu.memory_space<vmem_shared>>) offsets(%arg14 : memref<200xi32, #tpu.memory_space<vmem>>) semaphore(%arg30 : memref<!tpu.dma_semaphore, #tpu.memory_space<semaphore_mem>>) {add = true}
    %dma_wait3A_63 = arith.constant 0 : i32
    %dma_wait3A_64 = arith.constant 0 : i32
    %dma_wait3A_65 = tpu.memref_slice %arg8[%dma_wait3A_63, %dma_wait3A_64] : memref<50048x32xf32, #tpu.memory_space<vmem_shared>> -> memref<50048x32xf32, #tpu.memory_space<vmem_shared>>
    tpu.wait_indirect_dma semaphore(%arg29 : memref<!tpu.dma_semaphore, #tpu.memory_space<semaphore_mem>>) src(%arg17 : memref<200x32xf32, #tpu.memory_space<vmem>>) dst(%dma_wait3A_65 : memref<50048x32xf32, #tpu.memory_space<vmem_shared>>)
    %dma_wait3A_66 = arith.constant 0 : i32
    %dma_wait3A_67 = arith.constant 0 : i32
    %dma_wait3A_68 = tpu.memref_slice %arg8[%dma_wait3A_66, %dma_wait3A_67] : memref<50048x32xf32, #tpu.memory_space<vmem_shared>> -> memref<50048x32xf32, #tpu.memory_space<vmem_shared>>
    tpu.wait_indirect_dma semaphore(%arg30 : memref<!tpu.dma_semaphore, #tpu.memory_space<semaphore_mem>>) src(%arg18 : memref<200x32xf32, #tpu.memory_space<vmem>>) dst(%dma_wait3A_68 : memref<50048x32xf32, #tpu.memory_space<vmem_shared>>)
    %dma_wait3A_69 = arith.constant 0 : i32
    %dma_wait3A_70 = arith.constant 0 : i32
    %dma_wait3A_71 = tpu.memref_slice %arg8[%dma_wait3A_69, %dma_wait3A_70] : memref<50048x32xf32, #tpu.memory_space<vmem_shared>> -> memref<50048x32xf32, #tpu.memory_space<vmem_shared>>
    tpu.wait_indirect_dma semaphore(%arg31 : memref<!tpu.dma_semaphore, #tpu.memory_space<semaphore_mem>>) src(%arg19 : memref<200x32xf32, #tpu.memory_space<vmem>>) dst(%dma_wait3A_71 : memref<50048x32xf32, #tpu.memory_space<vmem_shared>>)
    %dma_wait3A_72 = arith.constant 0 : i32
    %dma_wait3A_73 = arith.constant 0 : i32
    %dma_wait3A_74 = tpu.memref_slice %arg8[%dma_wait3A_72, %dma_wait3A_73] : memref<50048x32xf32, #tpu.memory_space<vmem_shared>> -> memref<50048x32xf32, #tpu.memory_space<vmem_shared>>
    tpu.wait_indirect_dma semaphore(%arg32 : memref<!tpu.dma_semaphore, #tpu.memory_space<semaphore_mem>>) src(%arg20 : memref<200x32xf32, #tpu.memory_space<vmem>>) dst(%dma_wait3A_74 : memref<50048x32xf32, #tpu.memory_space<vmem_shared>>)
    %barrier3A_75 = arith.constant 0 : index
    tpu.barrier barrier_id(%barrier3A_75)
    %mul3A_76 = arith.constant 3128 : i32
    %mul3A_77 = arith.muli %arg1, %mul3A_76 : i32
    %eq3A = arith.constant 0 : i32
    %eq3A_78 = arith.cmpi eq, %arg0, %eq3A : i32
    %convert_element_type3A = arith.extui %eq3A_78 : i1 to i32
    %cond3A = arith.constant 0 : i32
    %cond3A_79 = arith.cmpi ne, %convert_element_type3A, %cond3A : i32
    scf.if %cond3A_79 {
      "tpu.region"() ({
        %run_scoped3A = tpu.sem_alloc : memref<!tpu.dma_semaphore, #tpu.memory_space<semaphore_mem>>
        %dma_start3A_85 = arith.constant 0 : i32
        %dma_start3A_86 = tpu.memref_slice %arg6[%mul3A_77, %dma_start3A_85] : memref<50048x32xf32, #tpu.memory_space<hbm>> -> memref<3128x32xf32, #tpu.memory_space<hbm>>
        %dma_start3A_87 = arith.constant 0 : i32
        %dma_start3A_88 = tpu.memref_slice %arg8[%mul3A_77, %dma_start3A_87] : memref<50048x32xf32, #tpu.memory_space<vmem_shared>> -> memref<3128x32xf32, #tpu.memory_space<vmem_shared>>
        tpu.enqueue_dma source(%dma_start3A_88 : memref<3128x32xf32, #tpu.memory_space<vmem_shared>>) target(%dma_start3A_86 : memref<3128x32xf32, #tpu.memory_space<hbm>>) target_semaphore(%run_scoped3A : memref<!tpu.dma_semaphore, #tpu.memory_space<semaphore_mem>>)
        %dma_wait3A_89 = arith.constant 0 : i32
        %dma_wait3A_90 = tpu.memref_slice %arg6[%mul3A_77, %dma_wait3A_89] : memref<50048x32xf32, #tpu.memory_space<hbm>> -> memref<3128x32xf32, #tpu.memory_space<hbm>>
        %dma_wait3A_91 = arith.constant 0 : i32
        %dma_wait3A_92 = tpu.memref_slice %arg8[%mul3A_77, %dma_wait3A_91] : memref<50048x32xf32, #tpu.memory_space<vmem_shared>> -> memref<3128x32xf32, #tpu.memory_space<vmem_shared>>
        tpu.wait_dma2 semaphore(%run_scoped3A : memref<!tpu.dma_semaphore, #tpu.memory_space<semaphore_mem>>) src(%dma_wait3A_92 : memref<3128x32xf32, #tpu.memory_space<vmem_shared>>) dst(%dma_wait3A_90 : memref<3128x32xf32, #tpu.memory_space<hbm>>)
        tpu.yield
      }) : () -> ()
    } else {
    }
    %eq3A_80 = arith.constant 1 : i32
    %eq3A_81 = arith.cmpi eq, %arg0, %eq3A_80 : i32
    %convert_element_type3A_82 = arith.extui %eq3A_81 : i1 to i32
    %cond3A_83 = arith.constant 0 : i32
    %cond3A_84 = arith.cmpi ne, %convert_element_type3A_82, %cond3A_83 : i32
    scf.if %cond3A_84 {
      "tpu.region"() ({
        %run_scoped3A = tpu.sem_alloc : memref<!tpu.dma_semaphore, #tpu.memory_space<semaphore_mem>>
        %dma_start3A_85 = arith.constant 0 : i32
        %dma_start3A_86 = tpu.memref_slice %arg7[%mul3A_77, %dma_start3A_85] : memref<50048x32xf32, #tpu.memory_space<hbm>> -> memref<3128x32xf32, #tpu.memory_space<hbm>>
        %dma_start3A_87 = arith.constant 0 : i32
        %dma_start3A_88 = tpu.memref_slice %arg8[%mul3A_77, %dma_start3A_87] : memref<50048x32xf32, #tpu.memory_space<vmem_shared>> -> memref<3128x32xf32, #tpu.memory_space<vmem_shared>>
        tpu.enqueue_dma source(%dma_start3A_88 : memref<3128x32xf32, #tpu.memory_space<vmem_shared>>) target(%dma_start3A_86 : memref<3128x32xf32, #tpu.memory_space<hbm>>) target_semaphore(%run_scoped3A : memref<!tpu.dma_semaphore, #tpu.memory_space<semaphore_mem>>)
        %dma_wait3A_89 = arith.constant 0 : i32
        %dma_wait3A_90 = tpu.memref_slice %arg7[%mul3A_77, %dma_wait3A_89] : memref<50048x32xf32, #tpu.memory_space<hbm>> -> memref<3128x32xf32, #tpu.memory_space<hbm>>
        %dma_wait3A_91 = arith.constant 0 : i32
        %dma_wait3A_92 = tpu.memref_slice %arg8[%mul3A_77, %dma_wait3A_91] : memref<50048x32xf32, #tpu.memory_space<vmem_shared>> -> memref<3128x32xf32, #tpu.memory_space<vmem_shared>>
        tpu.wait_dma2 semaphore(%run_scoped3A : memref<!tpu.dma_semaphore, #tpu.memory_space<semaphore_mem>>) src(%dma_wait3A_92 : memref<3128x32xf32, #tpu.memory_space<vmem_shared>>) dst(%dma_wait3A_90 : memref<3128x32xf32, #tpu.memory_space<hbm>>)
        tpu.yield
      }) : () -> ()
    } else {
    }
    return
  }
}

module attributes {stable_mosaic.version = 14 : i64} {
  func.func @body(%arg0: i32, %arg1: memref<2x12x1x2048xf32, #tpu.memory_space<vmem>>, %arg2: memref<504x2x128xi32, #tpu.memory_space<vmem>>, %arg3: memref<2048x32xf32, #tpu.memory_space<vmem>>, %arg4: memref<24x2048xf32, #tpu.memory_space<vmem>>, %arg5: memref<504x128xi32, #tpu.memory_space<vmem>>, %arg6: memref<504x128xi32, #tpu.memory_space<vmem>>) attributes {dimension_semantics = [#tpu.dimension_semantics<arbitrary>], iteration_bounds = array<i64: 25>, scalar_prefetch = 0 : i64, scratch_operands = 0 : i64, tpu.core_type = #tpu.core_type<tc>, window_params = [{transform_indices = @transform_0, window_bounds = array<i64: 2, 12, 1, 2048>}, {transform_indices = @transform_1, window_bounds = array<i64: 504, 2, 128>}, {transform_indices = @transform_2, window_bounds = array<i64: 2048, 32>}, {transform_indices = @transform_3, window_bounds = array<i64: 24, 2048>}, {transform_indices = @transform_4, window_bounds = array<i64: 504, 128>}, {transform_indices = @transform_5, window_bounds = array<i64: 504, 128>}]} {
    %get3A = arith.constant 0 : index
    %get3A_0 = arith.constant 0 : index
    %get3A_1 = arith.constant 0 : index
    %get3A_2 = arith.constant 0 : index
    %get3A_3 = vector.load %arg1[%get3A, %get3A_0, %get3A_1, %get3A_2] : memref<2x12x1x2048xf32, #tpu.memory_space<vmem>>, vector<2x12x1x2048xf32>
    %reshape3A = vector.shape_cast %get3A_3 : vector<2x12x1x2048xf32> to vector<24x2048xf32>
    %swap3A = arith.constant 0 : index
    %swap3A_4 = arith.constant 0 : index
    %swap3A_5 = vector.load %arg4[%swap3A, %swap3A_4] : memref<24x2048xf32, #tpu.memory_space<vmem>>, vector<24x2048xf32>
    tpu.vector_store %arg4[%swap3A, %swap3A_4], %reshape3A {strides = array<i32>} : memref<24x2048xf32, #tpu.memory_space<vmem>>, vector<24x2048xf32>,
    %broadcast_in_dim3A = arith.constant 1.000000e+00 : f32
    %broadcast_in_dim3A_6 = vector.broadcast %broadcast_in_dim3A : f32 to vector<1x2048xf32>
    %broadcast_in_dim3A_7 = arith.constant 0.000000e+00 : f32
    %broadcast_in_dim3A_8 = vector.broadcast %broadcast_in_dim3A_7 : f32 to vector<7x2048xf32>
    %concatenate3A = tpu.concatenate %reshape3A, %broadcast_in_dim3A_6, %broadcast_in_dim3A_8 in 0 : vector<24x2048xf32>, vector<1x2048xf32>, vector<7x2048xf32> -> vector<32x2048xf32>
    %transpose3A = tpu.transpose %concatenate3A, [1, 0] : vector<32x2048xf32> -> vector<2048x32xf32>
    %swap3A_9 = arith.constant 0 : index
    %swap3A_10 = arith.constant 0 : index
    %swap3A_11 = vector.load %arg3[%swap3A_9, %swap3A_10] : memref<2048x32xf32, #tpu.memory_space<vmem>>, vector<2048x32xf32>
    tpu.vector_store %arg3[%swap3A_9, %swap3A_10], %transpose3A {strides = array<i32>} : memref<2048x32xf32, #tpu.memory_space<vmem>>, vector<2048x32xf32>,
    %get3A_12 = arith.constant 0 : index
    %get3A_13 = arith.constant 0 : index
    %get3A_14 = arith.constant 0 : index
    %get3A_15 = vector.load %arg2[%get3A_12, %get3A_13, %get3A_14] : memref<504x2x128xi32, #tpu.memory_space<vmem>>, vector<504x2x128xi32>
    %slice3A = vector.extract_strided_slice %get3A_15 {offsets = [0, 0, 0], sizes = [504, 1, 128], strides = [1, 1, 1]} : vector<504x2x128xi32> to vector<504x1x128xi32>
    %squeeze3A = vector.shape_cast %slice3A : vector<504x1x128xi32> to vector<504x128xi32>
    %swap3A_16 = arith.constant 0 : index
    %swap3A_17 = arith.constant 0 : index
    %swap3A_18 = vector.load %arg5[%swap3A_16, %swap3A_17] : memref<504x128xi32, #tpu.memory_space<vmem>>, vector<504x128xi32>
    tpu.vector_store %arg5[%swap3A_16, %swap3A_17], %squeeze3A {strides = array<i32>} : memref<504x128xi32, #tpu.memory_space<vmem>>, vector<504x128xi32>,
    %slice3A_19 = vector.extract_strided_slice %get3A_15 {offsets = [0, 1, 0], sizes = [504, 1, 128], strides = [1, 1, 1]} : vector<504x2x128xi32> to vector<504x1x128xi32>
    %squeeze3A_20 = vector.shape_cast %slice3A_19 : vector<504x1x128xi32> to vector<504x128xi32>
    %swap3A_21 = arith.constant 0 : index
    %swap3A_22 = arith.constant 0 : index
    %swap3A_23 = vector.load %arg6[%swap3A_21, %swap3A_22] : memref<504x128xi32, #tpu.memory_space<vmem>>, vector<504x128xi32>
    tpu.vector_store %arg6[%swap3A_21, %swap3A_22], %squeeze3A_20 {strides = array<i32>} : memref<504x128xi32, #tpu.memory_space<vmem>>, vector<504x128xi32>,
    return
  }
  func.func @transform_0(%arg0: i32) -> (i32, i32, i32, i32) {
    %c0_i32 = arith.constant 0 : i32
    %c0_i32_0 = arith.constant 0 : i32
    %c0_i32_1 = arith.constant 0 : i32
    %c0_i32_2 = arith.constant 0 : i32
    return %c0_i32, %c0_i32_0, %c0_i32_1, %arg0 : i32, i32, i32, i32
  }
  func.func @transform_1(%arg0: i32) -> (i32, i32, i32) {
    %c0_i32 = arith.constant 0 : i32
    %c0_i32_0 = arith.constant 0 : i32
    %c0_i32_1 = arith.constant 0 : i32
    return %arg0, %c0_i32, %c0_i32_0 : i32, i32, i32
  }
  func.func @transform_2(%arg0: i32) -> (i32, i32) {
    %c0_i32 = arith.constant 0 : i32
    %c0_i32_0 = arith.constant 0 : i32
    return %arg0, %c0_i32 : i32, i32
  }
  func.func @transform_3(%arg0: i32) -> (i32, i32) {
    %c0_i32 = arith.constant 0 : i32
    %c0_i32_0 = arith.constant 0 : i32
    return %c0_i32, %arg0 : i32, i32
  }
  func.func @transform_4(%arg0: i32) -> (i32, i32) {
    %c0_i32 = arith.constant 0 : i32
    %c0_i32_0 = arith.constant 0 : i32
    return %arg0, %c0_i32 : i32, i32
  }
  func.func @transform_5(%arg0: i32) -> (i32, i32) {
    %c0_i32 = arith.constant 0 : i32
    %c0_i32_0 = arith.constant 0 : i32
    return %arg0, %c0_i32 : i32, i32
  }
}

module attributes {stable_mosaic.version = 14 : i64} {
  func.func @body(%arg0: i32, %arg1: memref<2048x32xf32, #tpu.memory_space<vmem>>, %arg2: memref<2048x32xf32, #tpu.memory_space<vmem>>, %arg3: memref<24x2048xf32, #tpu.memory_space<vmem>>, %arg4: memref<480x48xf32, #tpu.memory_space<vmem>>, %arg5: memref<12x20x2x2048xf32, #tpu.memory_space<vmem>>) attributes {dimension_semantics = [#tpu.dimension_semantics<parallel>], iteration_bounds = array<i64: 25>, scalar_prefetch = 0 : i64, scratch_operands = 0 : i64, tpu.core_type = #tpu.core_type<tc>, window_params = [{transform_indices = @transform_0, window_bounds = array<i64: 2048, 32>}, {transform_indices = @transform_1, window_bounds = array<i64: 2048, 32>}, {transform_indices = @transform_2, window_bounds = array<i64: 24, 2048>}, {pipeline_mode = #tpu.pipeline_mode<synchronous>, transform_indices = @transform_3, window_bounds = array<i64: 480, 48>}, {transform_indices = @transform_4, window_bounds = array<i64: 12, 20, 2, 2048>}]} {
    %get3A = arith.constant 0 : index
    %get3A_0 = arith.constant 0 : index
    %get3A_1 = vector.load %arg1[%get3A, %get3A_0] : memref<2048x32xf32, #tpu.memory_space<vmem>>, vector<2048x32xf32>
    %get3A_2 = arith.constant 0 : index
    %get3A_3 = arith.constant 0 : index
    %get3A_4 = vector.load %arg2[%get3A_2, %get3A_3] : memref<2048x32xf32, #tpu.memory_space<vmem>>, vector<2048x32xf32>
    %add3A = arith.addf %get3A_1, %get3A_4 : vector<2048x32xf32>
    %transpose3A = tpu.transpose %add3A, [1, 0] : vector<2048x32xf32> -> vector<32x2048xf32>
    %slice3A = vector.extract_strided_slice %transpose3A {offsets = [24, 0], sizes = [1, 2048], strides = [1, 1]} : vector<32x2048xf32> to vector<1x2048xf32>
    %max3A = arith.constant 1.000000e+00 : f32
    %max3A_5 = vector.broadcast %max3A : f32 to vector<1x2048xf32>
    %max3A_6 = arith.maximumf %slice3A, %max3A_5 : vector<1x2048xf32>
    %slice3A_7 = vector.extract_strided_slice %transpose3A {offsets = [0, 0], sizes = [24, 2048], strides = [1, 1]} : vector<32x2048xf32> to vector<24x2048xf32>
    %div3A = vector.broadcast %max3A_6 : vector<1x2048xf32> to vector<24x2048xf32>
    %div3A_8 = arith.divf %slice3A_7, %div3A : vector<24x2048xf32>
    %get3A_9 = arith.constant 0 : index
    %get3A_10 = arith.constant 0 : index
    %get3A_11 = vector.load %arg3[%get3A_9, %get3A_10] : memref<24x2048xf32, #tpu.memory_space<vmem>>, vector<24x2048xf32>
    %concatenate3A = tpu.concatenate %get3A_11, %div3A_8 in 0 : vector<24x2048xf32>, vector<24x2048xf32> -> vector<48x2048xf32>
    %get3A_12 = arith.constant 0 : index
    %get3A_13 = arith.constant 0 : index
    %get3A_14 = vector.load %arg4[%get3A_12, %get3A_13] : memref<480x48xf32, #tpu.memory_space<vmem>>, vector<480x48xf32>
    %dot_general3A = arith.constant dense<0.000000e+00> : vector<480x2048xf32>
    %dot_general3A_15 = tpu.matmul %get3A_14, %concatenate3A, %dot_general3A {dimension_numbers = #tpu.dot_dimension_numbers<[1], [0], [0], [1], [0, 0, 1, 1], [], []>, transpose_lhs_hint = false} : vector<480x48xf32>, vector<48x2048xf32>, vector<480x2048xf32> -> vector<480x2048xf32>
    %reshape3A = vector.shape_cast %dot_general3A_15 : vector<480x2048xf32> to vector<12x20x2x2048xf32>
    %swap3A = arith.constant 0 : index
    %swap3A_16 = arith.constant 0 : index
    %swap3A_17 = arith.constant 0 : index
    %swap3A_18 = arith.constant 0 : index
    %swap3A_19 = vector.load %arg5[%swap3A, %swap3A_16, %swap3A_17, %swap3A_18] : memref<12x20x2x2048xf32, #tpu.memory_space<vmem>>, vector<12x20x2x2048xf32>
    tpu.vector_store %arg5[%swap3A, %swap3A_16, %swap3A_17, %swap3A_18], %reshape3A {strides = array<i32>} : memref<12x20x2x2048xf32, #tpu.memory_space<vmem>>, vector<12x20x2x2048xf32>,
    return
  }
  func.func @transform_0(%arg0: i32) -> (i32, i32) {
    %c0_i32 = arith.constant 0 : i32
    %c0_i32_0 = arith.constant 0 : i32
    return %arg0, %c0_i32 : i32, i32
  }
  func.func @transform_1(%arg0: i32) -> (i32, i32) {
    %c0_i32 = arith.constant 0 : i32
    %c0_i32_0 = arith.constant 0 : i32
    return %arg0, %c0_i32 : i32, i32
  }
  func.func @transform_2(%arg0: i32) -> (i32, i32) {
    %c0_i32 = arith.constant 0 : i32
    %c0_i32_0 = arith.constant 0 : i32
    return %c0_i32, %arg0 : i32, i32
  }
  func.func @transform_3(%arg0: i32) -> (i32, i32) {
    %c0_i32 = arith.constant 0 : i32
    %c0_i32_0 = arith.constant 0 : i32
    %c0_i32_1 = arith.constant 0 : i32
    return %c0_i32, %c0_i32_0 : i32, i32
  }
  func.func @transform_4(%arg0: i32) -> (i32, i32, i32, i32) {
    %c0_i32 = arith.constant 0 : i32
    %c0_i32_0 = arith.constant 0 : i32
    %c0_i32_1 = arith.constant 0 : i32
    %c0_i32_2 = arith.constant 0 : i32
    return %c0_i32, %c0_i32_0, %c0_i32_1, %arg0 : i32, i32, i32, i32
  }
}

</mosaic_0001>

<sc_bundles>
// kernel: kernel.5.cloned.1.call-start
scs
__scs_entry_jumppad:
0x0: {  	(pc) =	sbr.rel $0x88, $3  }
0x1: {  	(tag) =	ssettag $0x0;
	lr =	simm.s32 $0x1  }
0x2: {  	[smem:$0x3F9E] =	sst lr;
	_ =	strace $0xD0000000  }
0x3: {  	_ = 	snop  }
0x4: {  	_ = 	snop  }
0x5: {  	_ = 	snop  }
0x6: {  	_ = 	snop  }
0x7: {  	_ = 	snop  }
__scs_overlays_trampoline_lowered:
0x8: {  	[smem:$0x3FAD] =	sst s0  }
0x9: {  	[smem:$0x3FAE] =	sst s1  }
0xa: {  	[smem:$0x3FAF] =	sst s2  }
0xb: {  	[smem:$0x3FB0] =	sst s3  }
0xc: {  	[smem:$0x3FB1] =	sst s4  }
0xd: {  	[smem:$0x3FB2] =	sst s5  }
0xe: {  	[smem:$0x3FB3] =	sst s6  }
0xf: {  	[smem:$0x3FB4] =	sst s7  }
0x10: {  	[smem:$0x3FB5] =	sst s8  }
0x11: {  	[smem:$0x3FB6] =	sst s9;
	s0 =	simm.s32 @!p0 $0x0  }
0x12: {  	s1 =	sld [smem:$0x3F9C];
	s0 =	simm.s32 @p0 $0x1  }
0x13: {  	[smem:$0x3FB7] =	sst s0;
	s0 =	simm.s32 @!p1 $0x0  }
0x14: {  	s2 =	sld [smem:$0x3F9B];
	s0 =	simm.s32 @p1 $0x1  }
0x15: {  	[smem:$0x3FB8] =	sst s0;
	s0 =	simm.s32 @!p2 $0x0  }
0x16: {  	s3 =	sld [smem:$0x3FDB];
	s0 =	simm.s32 @p2 $0x1  }
0x17: {  	s4 =	simm.s32 $0x1BF5;
	[smem:$0x3FBA] =	sst s0  }
0x18: {  	s0 =	sld [smem:$0x3F9D];
	_ =	swait.ge [sflag:s4], $0x0  }
0x19: {  	s7 =	sld [smem:$0x3F9E]  }
0x1a: {  	s8 =	sadd.s32 $0xFFFFE003, lr  }
0x1b: {  	s9 =	sadd.s32 $0xFFFFFEF7, lr;
	s5 =	simm.s32 $0xFFFFFFFF;
	p2 =	slt.u32 s8, $0xFFFFF086  }
0x1c: {  	p1 =	slt.u32 s9, $0xF7A;
	s5 =	simm.s32 @!p2 $0x0  }
0x1d: {  	s5 =	simm.s32 @p1 $0x1;
	p0 =	seq.s32 s7, s2  }
0x1e: {  	s7 =	smul.u32 @!p0 $0xF7A, s2;
	p2 =	seq.s32 @!p0 s5, $0x0  }
0x1f: {  	s9 =	smul.u32 $0xF7A, s1;
	s8 =	simm.s32 @!p0 $0x1BF5;
	p2 =	por !p2, p0  }
0x20: {  	[sflag:s8] =	ssyncset.s32 @!p0 $0xFFFFF086;
	s6 =	sadd.s32 @!p0 s3, s7;
	s7 =	simm.s32 @!p0 $0x108  }
0x21: {  	s3 =	sadd.s32 s3, s9;
	s6 =	sadd.s32 @!p0 $0x88, s6;
	s7 =	simm.s32 @p2 $0x1082  }
0x22: {  	[simem:s7], [sflag:s8] =	dma.local @!p0 [hbm:s6], $0xF7A  }
0x23: {  	s9 =	sor.u32 $0xD0000000, s2;
	s6 =	simm.s32 $0x108;
	_ =	swait.ge @!p0 [sflag:s8], $0x0  }
0x24: {  	s3 =	sadd.s32 $0x88, s3;
	s6 =	simm.s32 @!p1 $0x1082;
	[sflag:s4] =	ssyncset.s32 $0xFFFFF086  }
0x25: {  	[simem:s6], [sflag:s4] =	dma.local [hbm:s3], $0xF7A  }
0x26: {  	[smem:$0x3F9E] =	sst s1;
	(tag) =	ssettag s2;
	_ =	strace s9  }
0x27: {  	s1 =	sld [smem:$0x3FAE]  }
0x28: {  	s2 =	sld [smem:$0x3FAF]  }
0x29: {  	s4 =	sld [smem:$0x3FB1]  }
0x2a: {  	p0 =	seq.s32 s5, $0x0;
	s5 =	sld [smem:$0x3FB2]  }
0x2b: {  	s6 =	sld [smem:$0x3FB3]  }
0x2c: {  	s7 =	sld [smem:$0x3FB4]  }
0x2d: {  	s3 =	simm.s32 $0x108;
	s8 =	sld [smem:$0x3FB5]  }
0x2e: {  	s3 =	simm.s32 @!p0 $0x1082;
	s9 =	sld [smem:$0x3FB6]  }
0x2f: {  	lr =	sadd.s32 s0, s3;
	s0 =	sld [smem:$0x3FAD]  }
0x30: {  	s3 =	sld [smem:$0x3FB0]  }
0x31: {  	[smem:$0x3FB9] =	sst s10  }
0x32: {  	s10 =	sld [smem:$0x3FB7];
	_ =	sdelay $0x3  }
0x33: {  	p0 =	seq.s32 s10, $0x1;
	s10 =	sld [smem:$0x3FB9];
	_ =	sdelay $0x3  }
0x34: {  	[smem:$0x3FB9] =	sst s10  }
0x35: {  	s10 =	sld [smem:$0x3FB8];
	_ =	sdelay $0x3  }
0x36: {  	p1 =	seq.s32 s10, $0x1;
	s10 =	sld [smem:$0x3FB9];
	_ =	sdelay $0x3  }
0x37: {  	[smem:$0x3FB9] =	sst s10  }
0x38: {  	s10 =	sld [smem:$0x3FBA]  }
0x39: {  	_ = 	snop;
	(pc) =	sbr.ind lr, $3  }
0x3a: {  	_ = 	snop  }
0x3b: {  	_ = 	snop  }
0x3c: {  	p2 =	seq.s32 s10, $0x1;
	s10 =	sld [smem:$0x3FB9]  }
0x3d: {  	_ =	shalt  }
0x3e: {  	_ =	shalt  }
0x3f: {  	_ =	shalt  }
0x40: {  	_ =	shalt  }
0x41: {  	_ =	shalt  }
0x42: {  	_ =	shalt  }
0x43: {  	_ =	shalt  }
0x44: {  	_ =	shalt  }
0x45: {  	_ =	shalt  }
0x46: {  	_ =	shalt  }
0x47: {  	_ =	shalt  }
0x48: {  	_ =	shalt  }
0x49: {  	_ =	shalt  }
0x4a: {  	_ =	shalt  }
0x4b: {  	_ =	shalt  }
0x4c: {  	_ =	shalt  }
0x4d: {  	_ =	shalt  }
0x4e: {  	_ =	shalt  }
0x4f: {  	_ =	shalt  }
0x50: {  	_ =	shalt  }
0x51: {  	_ =	shalt  }
0x52: {  	_ =	shalt  }
0x53: {  	_ =	shalt  }
0x54: {  	_ =	shalt  }
0x55: {  	_ =	shalt  }
0x56: {  	_ =	shalt  }
0x57: {  	_ =	shalt  }
0x58: {  	_ =	shalt  }
0x59: {  	_ =	shalt  }
0x5a: {  	_ =	shalt  }
0x5b: {  	_ =	shalt  }
0x5c: {  	_ =	shalt  }
0x5d: {  	_ =	shalt  }
0x5e: {  	_ =	shalt  }
0x5f: {  	_ =	shalt  }
0x60: {  	_ =	shalt  }
0x61: {  	_ =	shalt  }
0x62: {  	_ =	shalt  }
0x63: {  	_ =	shalt  }
0x64: {  	_ =	shalt  }
0x65: {  	_ =	shalt  }
0x66: {  	_ =	shalt  }
0x67: {  	_ =	shalt  }
0x68: {  	_ =	shalt  }
0x69: {  	_ =	shalt  }
0x6a: {  	_ =	shalt  }
0x6b: {  	_ =	shalt  }
0x6c: {  	_ =	shalt  }
0x6d: {  	_ =	shalt  }
0x6e: {  	_ =	shalt  }
0x6f: {  	_ =	shalt  }
0x70: {  	_ =	shalt  }
0x71: {  	_ =	shalt  }
0x72: {  	_ =	shalt  }
0x73: {  	_ =	shalt  }
0x74: {  	_ =	shalt  }
0x75: {  	_ =	shalt  }
0x76: {  	_ =	shalt  }
0x77: {  	_ =	shalt  }
0x78: {  	_ =	shalt  }
0x79: {  	_ =	shalt  }
0x7a: {  	_ =	shalt  }
0x7b: {  	_ =	shalt  }
0x7c: {  	_ =	shalt  }
0x7d: {  	_ =	shalt  }
0x7e: {  	_ =	shalt  }
0x7f: {  	_ =	shalt  }
0x80: {  	_ =	shalt  }
0x81: {  	_ =	shalt  }
0x82: {  	_ =	shalt  }
0x83: {  	_ =	shalt  }
0x84: {  	_ =	shalt  }
0x85: {  	_ =	shalt  }
0x86: {  	_ =	shalt  }
0x87: {  	_ =	shalt  }
.Lfunc_end0:
.L_simem_size_0:
called_computation_lowered:
.L_overlay_start_0:
0x88: {  	s2 =	sld [smem:$0x3FD9]  }
0x89: {  	s3 =	sld [smem:$0x3FFE];
	_ =	sdelay $0x1  }
0x8a: {  	s1 =	srdreg.scid  }
0x8b: {  	s0 =	sand.u32 $0x1, s1  }
0x8c: {  	s17 =	sshll.u32 s0, $0xA;
	s2 =	sadd.s32 s3, s2  }
0x8d: {  	s2 =	sadd.s32 s2, s17  }
0x8e: {  	[smem:$0x3FC5] =	sst s2  }
0x8f: {  	_ = 	snop  }
0x90: {  	s2 =	sld [smem:$0x3FD0];
	(tm) =	ssettm $0x1  }
0x91: {  	s18 =	sld [smem:$0x3FFB];
	_ =	sdelay $0x3  }
0x92: {  	_ =	strace s18  }
0x93: {  	s3 =	sld [smem:$0x3FFC];
	_ =	sdelay $0x3  }
0x94: {  	_ =	strace s3  }
0x95: {  	s3 =	sld [smem:$0x3FFD];
	_ =	sdelay $0x3  }
0x96: {  	_ =	strace s3  }
0x97: {  	_ =	strace $0x8FFFFFFF  }
0x98: {  	s19 =	sld [smem:$0x3FDB];
	_ =	sdelay $0x1  }
0x99: {  	s4 =	simm.s32 $_scs_section_size  }
0x9a: {  	s5 =	simm.s32 $_size__tile_overlayer_lowered;
	s6 =	simm.s32 $_tile_overlayer_lowered  }
0x9b: {  	s22 =	simm.s32 $0x1BFF;
	s21 =	sshll.u32 s6, $0x1;
	s3 =	sadd.s32 s4, s19  }
0x9c: {  	s7 =	simm.s32 $0x0;
	s20 =	sshll.u32 s5, $0x1;
	s5 =	sadd.s32 s21, s3  }
0x9d: {  	[timem:s7], [sflag:s22] =	dma.local [hbm:s5], s20  }
0x9e: {  	_ =	swait.ge [sflag:s22], s20  }
0x9f: {  	s4 =	ssub.s32 $0x0, s20;
	[sflag:s22] =	ssyncset.done $0x0  }
0xa0: {  	[sflag:s22] =	ssyncadd.s32 s4;
	_ =	sdelay $0x1  }
0xa1: {  	s23 =	simm.s32 $0x1B8B  }
0xa2: {  	_ =	swait.ge [sflag:s23], $0x1  }
0xa3: {  	[sflag:s23] =	ssyncset.done $0x0  }
0xa4: {  	s25 =	simm.s32 $0x1B8E;
	s24 =	sld [smem:$0x3FFE];
	[sflag:s23] =	ssyncadd.s32 $0xFFFFFFFF  }
0xa5: {  	s26 =	simm.s32 $execute0_lowered;
	[smem:$0x3FD2] =	sst s25  }
0xa6: {  	s5 =	sshll.u32 s26, $0x1;
	_ =	strace $0x80000046;
	[dreg:$0x1] =	wrdreg $0xFFFFFFFF  }
0xa7: {  	s28 =	simm.s32 $_size_execute0_lowered;
	s3 =	sadd.s32 s3, s5;
	[dreg:$0x0] =	wrdreg $0x0  }
0xa8: {  	s5 =	sshll.u32 s28, $0x1;
	[dreg:$0x2] =	wrdreg s3  }
0xa9: {  	[dreg:$0x3] =	wrdreg s5  }
0xaa: {  	[dreg:$0x4] =	wrdreg $0xC0  }
0xab: {  	_ =	task [dreg:s7], $0x5FFFF  }
0xac: {  	[dreg:$0x1] =	wrdreg $0xFFFFFFFF  }
0xad: {  	[dreg:$0x0] =	wrdreg $0x60  }
0xae: {  	[dreg:$0x2] =	wrdreg s24  }
0xaf: {  	[dreg:$0x3] =	wrdreg s2  }
0xb0: {  	[dreg:$0x4] =	wrdreg $0x0  }
0xb1: {  	[dreg:$0x5] =	wrdreg $0x9  }
0xb2: {  	_ =	task.clear_ibuf [dreg:s7], $0x6FFFF;
	_ =	strace $0x90000046  }
0xb3: {  	s29 =	simm.s32 $0x9;
	_ =	strace $0x80000048  }
0xb4: {  	_ =	swait.ge [sflag:s29], $0x1  }
0xb5: {  	[sflag:s29] =	ssyncadd.s32 $0xFFFFFFFF  }
0xb6: {  	_ =	strace $0x90000048  }
0xb7: {  	_ =	sfence  }
0xb8: {  	s30 =	sld [smem:$0x0];
	_ =	sdelay $0x2  }
0xb9: {  	s31 =	sshll.u32 s1, $0xD;
	s1 =	sshrl.u32 s1, $0x2  }
0xba: {  	s3 =	sand.u32 $0x4000, s31;
	s1 =	sadd.s32 s1, s30  }
0xbb: {  	s0 =	sor.u32 s3, s0;
	s1 =	sshll.u32 s1, $0x11  }
0xbc: {  	s0 =	sor.u32 s1, s0  }
0xbd: {  	s0 =	sadd.s32 $0x8F2B, s0  }
0xbe: {  	[sflag:s0] =	ssyncadd.remote.s32 $0x1  }
0xbf: {  	_ =	sfence.sel $0xFFFF  }
0xc0: {  	[dreg:$0x0] =	wrdreg $0xFFFFFFFF;
	(pc) =	sbr.abs _section_cstart, $3  }
0xc1: {  	[dreg:$0x1] =	wrdreg $0xFFFFFFFF  }
0xc2: {  	_ =	task.clear_ibuf [dreg:s7], $0x2FFFF;
	_ =	strace $0x9FFFFFFF  }
0xc3: {  	(tm) =	ssettm $0x7FFFFFFF  }
tec
execute0_lowered:
.L_overlay_start_1:
0x0: {  	(tag) =	ssettag $0x1  }
0x1: {  	s0 =	rddreg [dreg:$0x0]  }
0x2: {  	s3 =	rddreg [dreg:$0x1]  }
0x3: {  	s1 =	rddreg [dreg:$0x2]  }
0x4: {  	s2 =	simm.s32 $0x0;
	s5 =	srdreg.scid;
	s10 =	stileid.u32  }
0x5: {  	s28 =	simm.s32 $0x5;
	s30 =	simm.s32 $0x6;
	s29 =	simm.s32 $0x18700  }
0x6: {  	[smem:$0x7FF] =	sst s2;
	s4 =	sadd.s32 $0x62E00, s0;
	s21 =	sadd.s32 $0x32000, s0  }
0x7: {  	s22 =	sadd.s32 $0x1200, s0;
	s5 =	sand.u32 $0x1, s5;
	s6 =	sshll.u32 s10, $0x1  }
0x8: {  	s8 =	smul.u32 $0x18700, s10;
	s9 =	sadd.s32 $0x93C00, s0;
	s0 =	sadd.s32 $0x96E00, s0  }
0x9: {  	s25 =	smul.u32 $0x186A0, s10;
	s10 =	sshll.u32 s10, $0x6;
	_ =	strace $0x80000047  }
0xa: {  	s7 =	ssub.s32 $0x2, s5;
	s6 =	sor.u32 s5, s6;
	[dreg:$0xa] =	wrdreg s9  }
0xb: {  	s26 =	smul.u32 $0xC350, s5;
	s17 =	sor.u32 $0x1C0D, s10;
	p0 =	seq.s32 s5, $0x1  }
0xc: {  	s24 =	sshrl.u32 s7, $0x1;
	s6 =	smul.u32 $0xC350, s6;
	s11 =	sadd.s32 s8, s1  }
0xd: {  	s14 =	sshrl.u32 s8, $0x3;
	s3 =	smov.u32 @p0 s0;
	[dreg:$0xc] =	wrdreg s17  }
0xe: {  	s0 =	simm.s32 $0x0;
	s7 =	ssub.s32 s7, s24;
	[dreg:$0xb] =	wrdreg s11  }
0xf: {  	s9 =	sadd.s32 s26, s25;
	s3 =	sadd.s32 s3, s14;
	s14 =	simm.s32 $0x8  }
0x10: {  	s31 =	sshrl.u32 s6, $0x3;
	s6 =	sadd.s32 $0xC8, s6;
	s16 =	sadd.s32 $0x258, s9  }
0x11: {  	s20 =	sadd.s32 $0x190, s9;
	s7 =	smax.u32 s7, $0x1;
	[dreg:$0x12] =	wrdreg s3  }
0x12: {  	s12 =	sadd.s32 s21, s31;
	s6 =	sshrl.u32 s6, $0x3;
	s10 =	sadd.s32 s22, s31  }
0x13: {  	s18 =	sshrl.u32 s16, $0x3;
	s24 =	sshrl.u32 s20, $0x3;
	[dreg:$0x11] =	wrdreg s7  }
0x14: {  	s31 =	sadd.s32 $0x320, s9;
	s20 =	simm.s32 $0xC8;
	[dreg:$0xd] =	wrdreg s12  }
0x15: {  	s16 =	simm.s32 $0x4;
	s7 =	simm.s32 $0xA;
	[dreg:$0xe] =	wrdreg s10  }
0x16: {  	s11 =	sadd.s32 s21, s6;
	s12 =	sadd.s32 $0x3E8, s9;
	[dreg:$0x13] =	wrdreg s31  }
0x17: {  	s6 =	sadd.s32 s22, s6;
	s19 =	sadd.s32 s18, s22;
	[dreg:$0xf] =	wrdreg s11  }
0x18: {  	s23 =	sadd.s32 s18, s21;
	s25 =	sadd.s32 s24, s22;
	[dreg:$0x10] =	wrdreg s6  }
0x19: {  	s26 =	sadd.s32 s24, s21;
	s18 =	simm.s32 $0x1BF40;
	[dreg:$0x6] =	wrdreg s19  }
0x1a: {  	s24 =	simm.s32 $0x1D840;
	s10 =	simm.s32 $0x7;
	[dreg:$0x7] =	wrdreg s23  }
0x1b: {  	s9 =	simm.s32 $0x9;
	s13 =	sshrl.u32 s12, $0x3;
	[dreg:$0x8] =	wrdreg s25  }
0x1c: {  	[dreg:$0x9] =	wrdreg s26;
	s6 =	simm.s32 $0xD;
	s19 =	simm.s32 $0x18BB0  }
0x1d: {  	s25 =	simm.s32 $0x18C78;
	s26 =	simm.s32 $0x18700;
	s15 =	sadd.s32 s13, s22  }
0x1e: {  	s11 =	simm.s32 $0x18890;
	s5 =	sadd.s32 s13, s21;
	[dreg:$0x4] =	wrdreg s15  }
0x1f: {  	s12 =	simm.s32 $0x18958;
	[dreg:$0x5] =	wrdreg s5;
	s15 =	simm.s32 $0x3  }
.LBB2_1:
0x20: {  	[dreg:$0x14] =	wrdreg s0  }
0x21: {  	s5 =	rddreg [dreg:$0xb]  }
0x22: {  	s3 =	rddreg [dreg:$0xa];
	s31 =	sshrl.u32 s5, $0x3  }
0x23: {  	[dreg:$0x15] =	wrdreg s31  }
0x24: {  	[spmem:s31], [sflag:s17] =	dma.local [hbm:s3], $0x30E0  }
0x25: {  	_ =	swait.ge [sflag:s6], $0x30E0  }
0x26: {  	[sflag:s6] =	ssyncset.done $0x0  }
0x27: {  	[sflag:s6] =	ssyncadd.s32 $0xFFFFCF20  }
0x28: {  	[bflag:$0x0] =	sbarrier.arrive $0xFFFF  }
0x29: {  	[tilespmem:s18], [sflag:$0xD] =	stream.linear.gather [hbm4b:s3+s2], $0x1900, $0x38;
	[tilespmem:$0x1F140] =	vst v63  }
0x2a: {  	_ =	swait.ge [sflag:s6], $0x1900  }
0x2b: {  	[sflag:s6] =	ssyncset.done $0x0  }
0x2c: {  	[sflag:s6] =	ssyncadd.s32 $0xFFFFE700  }
0x2d: {  	[tilespmem:s19], [sflag:$0xD] =	stream.linear.gather [hbm4b:s22+s2], $0xC8, $0x38;
	[tilespmem:$0x1F140] =	vst v63  }
0x2e: {  	_ =	swait.ge [sflag:s6], $0xC8  }
0x2f: {  	[sflag:s6] =	ssyncset.done $0x0  }
0x30: {  	[sflag:s6] =	ssyncadd.s32 $0xFFFFFF38  }
0x31: {  	[spmem:s1] =	stream.indirect.scatter.add.f32 [tilespmem:s18], [sflag:$0xB], $0x20, s19, s20, $0xb8;
	[tilespmem:$0x1F140] =	vst v63  }
0x32: {  	_ = 	snop  }
0x33: {  	[tilespmem:s24], [sflag:$0xD] =	stream.linear.gather [hbm4b:s3+s2], $0x1900, $0x38;
	[tilespmem:$0x1F140] =	vst v63  }
0x34: {  	_ =	swait.ge [sflag:s6], $0x1900  }
0x35: {  	[sflag:s6] =	ssyncset.done $0x0  }
0x36: {  	[sflag:s6] =	ssyncadd.s32 $0xFFFFE700  }
0x37: {  	[tilespmem:s25], [sflag:$0xD] =	stream.linear.gather [hbm4b:s22+s2], $0xC8, $0x38;
	[tilespmem:$0x1F140] =	vst v63  }
0x38: {  	_ =	swait.ge [sflag:s6], $0xC8  }
0x39: {  	[sflag:s6] =	ssyncset.done $0x0  }
0x3a: {  	[sflag:s6] =	ssyncadd.s32 $0xFFFFFF38  }
0x3b: {  	[spmem:s1] =	stream.indirect.scatter.add.f32 [tilespmem:s24], [sflag:$0xC], $0x20, s25, s20, $0xb8;
	[tilespmem:$0x1F140] =	vst v63  }
0x3c: {  	s6 =	rddreg [dreg:$0xd]  }
0x3d: {  	[tilespmem:s26], [sflag:$0x5] =	stream.linear.gather [hbm4b:s6+s2], $0xC8, $0x38;
	[tilespmem:$0x1F140] =	vst v63  }
0x3e: {  	s17 =	simm.s32 $0x18A20;
	s8 =	rddreg [dreg:$0xe]  }
0x3f: {  	[tilespmem:s17], [sflag:$0x5] =	stream.linear.gather [hbm4b:s8+s2], $0xC8, $0x38;
	[tilespmem:$0x1F140] =	vst v63  }
0x40: {  	s13 =	rddreg [dreg:$0xf];
	s8 =	simm.s32 $0x187C8  }
0x41: {  	[tilespmem:s8], [sflag:$0x6] =	stream.linear.gather [hbm4b:s13+s2], $0xC8, $0x38;
	[tilespmem:$0x1F140] =	vst v63  }
0x42: {  	s23 =	rddreg [dreg:$0x10];
	s13 =	simm.s32 $0x18AE8  }
0x43: {  	[tilespmem:s13], [sflag:$0x6] =	stream.linear.gather [hbm4b:s23+s2], $0xC8, $0x38;
	[tilespmem:$0x1F140] =	vst v63  }
0x44: {  	_ =	swait.ge [sflag:s28], $0xC8  }
0x45: {  	[sflag:s28] =	ssyncset.done $0x0  }
0x46: {  	[sflag:s28] =	ssyncadd.s32 $0xFFFFFF38  }
0x47: {  	_ =	swait.ge [sflag:s28], $0xC8  }
0x48: {  	[sflag:s28] =	ssyncset.done $0x0  }
0x49: {  	s0 =	simm.s32 $0x18D40;
	[sflag:s28] =	ssyncadd.s32 $0xFFFFFF38  }
0x4a: {  	[tilespmem:s0], [sflag:$0x1] =	stream.indirect.gather [hbm4b:s4+s20], $0x20, s26, s20, $0xb8;
	[tilespmem:$0x1F140] =	vst v63  }
0x4b: {  	_ =	swait.ge [sflag:s30], $0xC8  }
0x4c: {  	[sflag:s30] =	ssyncset.done $0x0  }
0x4d: {  	[sflag:s30] =	ssyncadd.s32 $0xFFFFFF38  }
0x4e: {  	_ =	swait.ge [sflag:s30], $0xC8  }
0x4f: {  	[sflag:s30] =	ssyncset.done $0x0  }
0x50: {  	s31 =	simm.s32 $0x1;
	s3 =	simm.s32 $0x1A640;
	[sflag:s30] =	ssyncadd.s32 $0xFFFFFF38  }
0x51: {  	[tilespmem:s3], [sflag:$0x2] =	stream.indirect.gather [hbm4b:s4+s20], $0x20, s8, s20, $0xb8;
	[tilespmem:$0x1F140] =	vst v63  }
0x52: {  	_ =	swait.ge [sflag:s31], $0x1900  }
0x53: {  	[sflag:s31] =	ssyncset.done $0x0  }
0x54: {  	s23 =	simm.s32 $0xB;
	[sflag:s31] =	ssyncadd.s32 $0xFFFFE700  }
0x55: {  	[spmem:s1] =	stream.indirect.scatter.add.f32 [tilespmem:s0], [sflag:$0x9], $0x20, s17, s20, $0xb8;
	[tilespmem:$0x1F140] =	vst v63  }
0x56: {  	_ =	swait.ge [sflag:s23], $0x1900  }
0x57: {  	s6 =	rddreg [dreg:$0x9];
	[sflag:s23] =	ssyncset.done $0x0  }
0x58: {  	s31 =	rddreg [dreg:$0x8];
	[sflag:s23] =	ssyncadd.s32 $0xFFFFE700;
	s5 =	sadd.s32 $0x0, s6  }
0x59: {  	[tilespmem:s11], [sflag:$0x7] =	stream.linear.gather [hbm4b:s5+s2], $0xC8, $0x38;
	[tilespmem:$0x1F140] =	vst v63  }
0x5a: {  	s6 =	sadd.s32 $0x0, s31  }
0x5b: {  	[tilespmem:s19], [sflag:$0x7] =	stream.linear.gather [hbm4b:s6+s2], $0xC8, $0x38;
	[tilespmem:$0x1F140] =	vst v63  }
0x5c: {  	_ =	swait.ge [sflag:s10], $0xC8  }
0x5d: {  	[sflag:s10] =	ssyncset.done $0x0  }
0x5e: {  	[sflag:s10] =	ssyncadd.s32 $0xFFFFFF38  }
0x5f: {  	_ =	swait.ge [sflag:s10], $0xC8  }
0x60: {  	[sflag:s10] =	ssyncset.done $0x0  }
0x61: {  	[sflag:s10] =	ssyncadd.s32 $0xFFFFFF38  }
0x62: {  	[tilespmem:s18], [sflag:$0x3] =	stream.indirect.gather [hbm4b:s4+s20], $0x20, s11, s20, $0xb8;
	[tilespmem:$0x1F140] =	vst v63  }
0x63: {  	s11 =	simm.s32 $0x2  }
0x64: {  	_ =	swait.ge [sflag:s11], $0x1900  }
0x65: {  	[sflag:s11] =	ssyncset.done $0x0  }
0x66: {  	[sflag:s11] =	ssyncadd.s32 $0xFFFFE700  }
0x67: {  	[spmem:s1] =	stream.indirect.scatter.add.f32 [tilespmem:s3], [sflag:$0xA], $0x20, s13, s20, $0xb8;
	[tilespmem:$0x1F140] =	vst v63  }
0x68: {  	s13 =	simm.s32 $0xC  }
0x69: {  	_ =	swait.ge [sflag:s13], $0x1900  }
0x6a: {  	s23 =	rddreg [dreg:$0x7];
	[sflag:s13] =	ssyncset.done $0x0  }
0x6b: {  	s31 =	rddreg [dreg:$0x6];
	[sflag:s13] =	ssyncadd.s32 $0xFFFFE700;
	s5 =	sadd.s32 $0x0, s23  }
0x6c: {  	[tilespmem:s12], [sflag:$0x8] =	stream.linear.gather [hbm4b:s5+s2], $0xC8, $0x38;
	[tilespmem:$0x1F140] =	vst v63  }
0x6d: {  	s11 =	sadd.s32 $0x0, s31  }
0x6e: {  	[tilespmem:s25], [sflag:$0x8] =	stream.linear.gather [hbm4b:s11+s2], $0xC8, $0x38;
	[tilespmem:$0x1F140] =	vst v63  }
0x6f: {  	_ =	swait.ge [sflag:s14], $0xC8  }
0x70: {  	[sflag:s14] =	ssyncset.done $0x0  }
0x71: {  	[sflag:s14] =	ssyncadd.s32 $0xFFFFFF38  }
0x72: {  	_ =	swait.ge [sflag:s14], $0xC8  }
0x73: {  	[sflag:s14] =	ssyncset.done $0x0  }
0x74: {  	[sflag:s14] =	ssyncadd.s32 $0xFFFFFF38  }
0x75: {  	[tilespmem:s24], [sflag:$0x4] =	stream.indirect.gather [hbm4b:s4+s20], $0x20, s12, s20, $0xb8;
	[tilespmem:$0x1F140] =	vst v63  }
0x76: {  	_ =	swait.ge [sflag:s15], $0x1900  }
0x77: {  	[sflag:s15] =	ssyncset.done $0x0  }
0x78: {  	[sflag:s15] =	ssyncadd.s32 $0xFFFFE700  }
0x79: {  	[spmem:s1] =	stream.indirect.scatter.add.f32 [tilespmem:s18], [sflag:$0xB], $0x20, s19, s20, $0xb8;
	[tilespmem:$0x1F140] =	vst v63  }
0x7a: {  	_ =	swait.ge [sflag:s9], $0x1900  }
0x7b: {  	s12 =	rddreg [dreg:$0x13]  }
0x7c: {  	[sflag:s9] =	ssyncset.done $0x0;
	s13 =	sshrl.u32 s12, $0x3  }
0x7d: {  	[sflag:s9] =	ssyncadd.s32 $0xFFFFE700;
	s19 =	sadd.s32 s21, s13  }
0x7e: {  	[tilespmem:s26], [sflag:$0x5] =	stream.linear.gather [hbm4b:s19+s2], $0xC8, $0x38;
	[tilespmem:$0x1F140] =	vst v63  }
0x7f: {  	s5 =	sadd.s32 s22, s13  }
0x80: {  	[tilespmem:s17], [sflag:$0x5] =	stream.linear.gather [hbm4b:s5+s2], $0xC8, $0x38;
	[tilespmem:$0x1F140] =	vst v63  }
0x81: {  	_ =	swait.ge [sflag:s28], $0xC8  }
0x82: {  	[sflag:s28] =	ssyncset.done $0x0  }
0x83: {  	[sflag:s28] =	ssyncadd.s32 $0xFFFFFF38  }
0x84: {  	_ =	swait.ge [sflag:s28], $0xC8  }
0x85: {  	[sflag:s28] =	ssyncset.done $0x0  }
0x86: {  	[sflag:s28] =	ssyncadd.s32 $0xFFFFFF38  }
0x87: {  	[tilespmem:s0], [sflag:$0x1] =	stream.indirect.gather [hbm4b:s4+s20], $0x20, s26, s20, $0xb8;
	[tilespmem:$0x1F140] =	vst v63  }
0x88: {  	_ =	swait.ge [sflag:s16], $0x1900  }
0x89: {  	[sflag:s16] =	ssyncset.done $0x0  }
0x8a: {  	[sflag:s16] =	ssyncadd.s32 $0xFFFFE700  }
0x8b: {  	[spmem:s1] =	stream.indirect.scatter.add.f32 [tilespmem:s24], [sflag:$0xC], $0x20, s25, s20, $0xb8;
	[tilespmem:$0x1F140] =	vst v63  }
0x8c: {  	s23 =	simm.s32 $0x1BF40;
	_ =	swait.ge [sflag:s7], $0x1900  }
0x8d: {  	s17 =	simm.s32 $0x64;
	s25 =	simm.s32 $0x1D840;
	s26 =	rddreg [dreg:$0x5]  }
0x8e: {  	s24 =	simm.s32 $0x18BB0;
	[sflag:s7] =	ssyncset.done $0x0;
	s31 =	rddreg [dreg:$0x4]  }
0x8f: {  	[sflag:s7] =	ssyncadd.s32 $0xFFFFE700;
	s5 =	sadd.s32 $0x0, s26;
	s6 =	sadd.s32 $0x0, s31  }
0x90: {  	[tilespmem:s8], [sflag:$0x6] =	stream.linear.gather [hbm4b:s5+s2], $0xC8, $0x38;
	[tilespmem:$0x1F140] =	vst v63  }
0x91: {  	s26 =	simm.s32 $0x18C78;
	s5 =	sadd.s32 $0x320, s12;
	s12 =	simm.s32 $0x18958  }
.LBB2_2:
0x92: {  	s8 =	simm.s32 $0x18AE8  }
0x93: {  	[tilespmem:s8], [sflag:$0x6] =	stream.linear.gather [hbm4b:s6+s2], $0xC8, $0x38;
	[tilespmem:$0x1F140] =	vst v63  }
0x94: {  	_ =	swait.ge [sflag:s30], $0xC8  }
0x95: {  	[sflag:s30] =	ssyncset.done $0x0  }
0x96: {  	[sflag:s30] =	ssyncadd.s32 $0xFFFFFF38  }
0x97: {  	_ =	swait.ge [sflag:s30], $0xC8  }
0x98: {  	s13 =	simm.s32 $0x187C8;
	[sflag:s30] =	ssyncset.done $0x0  }
0x99: {  	s3 =	simm.s32 $0x1A640;
	s0 =	simm.s32 $0x1;
	[sflag:s30] =	ssyncadd.s32 $0xFFFFFF38  }
0x9a: {  	[tilespmem:s3], [sflag:$0x2] =	stream.indirect.gather [hbm4b:s4+s20], $0x20, s13, s20, $0xb8;
	[tilespmem:$0x1F140] =	vst v63  }
0x9b: {  	_ =	swait.ge [sflag:s0], $0x1900  }
0x9c: {  	s31 =	simm.s32 $0x18A20;
	[sflag:s0] =	ssyncset.done $0x0  }
0x9d: {  	s11 =	simm.s32 $0xB;
	[sflag:s0] =	ssyncadd.s32 $0xFFFFE700;
	s0 =	simm.s32 $0x18D40  }
0x9e: {  	[spmem:s1] =	stream.indirect.scatter.add.f32 [tilespmem:s0], [sflag:$0x9], $0x20, s31, s20, $0xb8;
	[tilespmem:$0x1F140] =	vst v63  }
0x9f: {  	_ =	swait.ge [sflag:s11], $0x1900  }
0xa0: {  	s18 =	rddreg [dreg:$0x9]  }
0xa1: {  	s6 =	smov.u32 s17;
	[sflag:s11] =	ssyncset.done $0x0;
	s19 =	rddreg [dreg:$0x8]  }
0xa2: {  	[sflag:s11] =	ssyncadd.s32 $0xFFFFE700;
	s11 =	simm.s32 $0x18890;
	s18 =	sadd.s32 s6, s18  }
0xa3: {  	[tilespmem:s11], [sflag:$0x7] =	stream.linear.gather [hbm4b:s18+s2], $0xC8, $0x38;
	[tilespmem:$0x1F140] =	vst v63  }
0xa4: {  	s19 =	sadd.s32 s6, s19  }
0xa5: {  	[tilespmem:s24], [sflag:$0x7] =	stream.linear.gather [hbm4b:s19+s2], $0xC8, $0x38;
	[tilespmem:$0x1F140] =	vst v63  }
0xa6: {  	_ =	swait.ge [sflag:s10], $0xC8  }
0xa7: {  	[sflag:s10] =	ssyncset.done $0x0  }
0xa8: {  	[sflag:s10] =	ssyncadd.s32 $0xFFFFFF38  }
0xa9: {  	_ =	swait.ge [sflag:s10], $0xC8  }
0xaa: {  	[sflag:s10] =	ssyncset.done $0x0  }
0xab: {  	s19 =	simm.s32 $0x2;
	[sflag:s10] =	ssyncadd.s32 $0xFFFFFF38  }
0xac: {  	[tilespmem:s23], [sflag:$0x3] =	stream.indirect.gather [hbm4b:s4+s20], $0x20, s11, s20, $0xb8;
	[tilespmem:$0x1F140] =	vst v63  }
0xad: {  	_ =	swait.ge [sflag:s19], $0x1900  }
0xae: {  	[sflag:s19] =	ssyncset.done $0x0  }
0xaf: {  	s18 =	simm.s32 $0xC;
	[sflag:s19] =	ssyncadd.s32 $0xFFFFE700  }
0xb0: {  	[spmem:s1] =	stream.indirect.scatter.add.f32 [tilespmem:s3], [sflag:$0xA], $0x20, s8, s20, $0xb8;
	[tilespmem:$0x1F140] =	vst v63  }
0xb1: {  	_ =	swait.ge [sflag:s18], $0x1900  }
0xb2: {  	s19 =	rddreg [dreg:$0x7];
	[sflag:s18] =	ssyncset.done $0x0  }
0xb3: {  	s8 =	rddreg [dreg:$0x6];
	[sflag:s18] =	ssyncadd.s32 $0xFFFFE700;
	s18 =	sadd.s32 s6, s19  }
0xb4: {  	[tilespmem:s12], [sflag:$0x8] =	stream.linear.gather [hbm4b:s18+s2], $0xC8, $0x38;
	[tilespmem:$0x1F140] =	vst v63  }
0xb5: {  	s19 =	sadd.s32 s6, s8  }
0xb6: {  	[tilespmem:s26], [sflag:$0x8] =	stream.linear.gather [hbm4b:s19+s2], $0xC8, $0x38;
	[tilespmem:$0x1F140] =	vst v63  }
0xb7: {  	_ =	swait.ge [sflag:s14], $0xC8  }
0xb8: {  	[sflag:s14] =	ssyncset.done $0x0  }
0xb9: {  	[sflag:s14] =	ssyncadd.s32 $0xFFFFFF38  }
0xba: {  	_ =	swait.ge [sflag:s14], $0xC8  }
0xbb: {  	[sflag:s14] =	ssyncset.done $0x0  }
0xbc: {  	[sflag:s14] =	ssyncadd.s32 $0xFFFFFF38  }
0xbd: {  	[tilespmem:s25], [sflag:$0x4] =	stream.indirect.gather [hbm4b:s4+s20], $0x20, s12, s20, $0xb8;
	[tilespmem:$0x1F140] =	vst v63  }
0xbe: {  	_ =	swait.ge [sflag:s15], $0x1900  }
0xbf: {  	[sflag:s15] =	ssyncset.done $0x0  }
0xc0: {  	[sflag:s15] =	ssyncadd.s32 $0xFFFFE700  }
0xc1: {  	[spmem:s1] =	stream.indirect.scatter.add.f32 [tilespmem:s23], [sflag:$0xB], $0x20, s24, s20, $0xb8;
	[tilespmem:$0x1F140] =	vst v63  }
0xc2: {  	_ =	swait.ge [sflag:s9], $0x1900  }
0xc3: {  	s3 =	sshrl.u32 s5, $0x3;
	[sflag:s9] =	ssyncset.done $0x0  }
0xc4: {  	s8 =	sadd.s32 s21, s3;
	[sflag:s9] =	ssyncadd.s32 $0xFFFFE700  }
0xc5: {  	[tilespmem:s29], [sflag:$0x5] =	stream.linear.gather [hbm4b:s8+s2], $0xC8, $0x38;
	[tilespmem:$0x1F140] =	vst v63  }
0xc6: {  	s18 =	sadd.s32 s22, s3  }
0xc7: {  	[tilespmem:s31], [sflag:$0x5] =	stream.linear.gather [hbm4b:s18+s2], $0xC8, $0x38;
	[tilespmem:$0x1F140] =	vst v63  }
0xc8: {  	_ =	swait.ge [sflag:s28], $0xC8  }
0xc9: {  	[sflag:s28] =	ssyncset.done $0x0  }
0xca: {  	[sflag:s28] =	ssyncadd.s32 $0xFFFFFF38  }
0xcb: {  	_ =	swait.ge [sflag:s28], $0xC8  }
0xcc: {  	[sflag:s28] =	ssyncset.done $0x0  }
0xcd: {  	[sflag:s28] =	ssyncadd.s32 $0xFFFFFF38  }
0xce: {  	[tilespmem:s0], [sflag:$0x1] =	stream.indirect.gather [hbm4b:s4+s20], $0x20, s29, s20, $0xb8;
	[tilespmem:$0x1F140] =	vst v63  }
0xcf: {  	_ =	swait.ge [sflag:s16], $0x1900  }
0xd0: {  	[sflag:s16] =	ssyncset.done $0x0  }
0xd1: {  	p0 =	sne.s32 s17, $0x17D4;
	s17 =	sadd.s32 $0x64, s17;
	[sflag:s16] =	ssyncadd.s32 $0xFFFFE700  }
0xd2: {  	[spmem:s1] =	stream.indirect.scatter.add.f32 [tilespmem:s25], [sflag:$0xC], $0x20, s26, s20, $0xb8;
	[tilespmem:$0x1F140] =	vst v63  }
.Ltmp0:
0xd3: {  	s5 =	sadd.s32 $0x320, s5;
	_ =	swait.ge [sflag:s7], $0x1900;
	(pc) =	sbr.rel @p0 .LBB2_2-.Ltmp0, $4  }
0xd4: {  	s3 =	simm.s32 $0x18D40;
	s8 =	simm.s32 $0x18A20;
	s19 =	rddreg [dreg:$0x5]  }
0xd5: {  	s31 =	simm.s32 $0x187C8;
	s0 =	rddreg [dreg:$0x4];
	[sflag:s7] =	ssyncset.done $0x0  }
0xd6: {  	[sflag:s7] =	ssyncadd.s32 $0xFFFFE700;
	s18 =	sadd.s32 s6, s19;
	s6 =	sadd.s32 s6, s0  }
0xd7: {  	[tilespmem:s13], [sflag:$0x6] =	stream.linear.gather [hbm4b:s18+s2], $0xC8, $0x38;
	[tilespmem:$0x1F140] =	vst v63  }
0xd8: {  	s5 =	simm.s32 $0x18AE8  }
0xd9: {  	[tilespmem:s5], [sflag:$0x6] =	stream.linear.gather [hbm4b:s6+s2], $0xC8, $0x38;
	[tilespmem:$0x1F140] =	vst v63  }
0xda: {  	_ =	swait.ge [sflag:s30], $0xC8  }
0xdb: {  	[sflag:s30] =	ssyncset.done $0x0  }
0xdc: {  	[sflag:s30] =	ssyncadd.s32 $0xFFFFFF38  }
0xdd: {  	_ =	swait.ge [sflag:s30], $0xC8  }
0xde: {  	[sflag:s30] =	ssyncset.done $0x0  }
0xdf: {  	s0 =	simm.s32 $0x1A640;
	s17 =	simm.s32 $0x1;
	[sflag:s30] =	ssyncadd.s32 $0xFFFFFF38  }
0xe0: {  	[tilespmem:s0], [sflag:$0x2] =	stream.indirect.gather [hbm4b:s4+s20], $0x20, s31, s20, $0xb8;
	[tilespmem:$0x1F140] =	vst v63  }
0xe1: {  	_ =	swait.ge [sflag:s17], $0x1900  }
0xe2: {  	[sflag:s17] =	ssyncset.done $0x0  }
0xe3: {  	s18 =	simm.s32 $0x2;
	[sflag:s17] =	ssyncadd.s32 $0xFFFFE700  }
0xe4: {  	[spmem:s1] =	stream.indirect.scatter.add.f32 [tilespmem:s3], [sflag:$0x9], $0x20, s8, s20, $0xb8;
	[tilespmem:$0x1F140] =	vst v63  }
0xe5: {  	_ =	swait.ge [sflag:s18], $0x1900  }
0xe6: {  	[sflag:s18] =	ssyncset.done $0x0  }
0xe7: {  	[sflag:s18] =	ssyncadd.s32 $0xFFFFE700  }
0xe8: {  	[spmem:s1] =	stream.indirect.scatter.add.f32 [tilespmem:s0], [sflag:$0xA], $0x20, s5, s20, $0xb8;
	[tilespmem:$0x1F140] =	vst v63  }
0xe9: {  	_ =	swait.ge [sflag:s9], $0x1900  }
0xea: {  	[sflag:s9] =	ssyncset.done $0x0  }
0xeb: {  	[sflag:s9] =	ssyncadd.s32 $0xFFFFE700  }
0xec: {  	_ =	swait.ge [sflag:s7], $0x1900  }
0xed: {  	[sflag:s7] =	ssyncset.done $0x0  }
0xee: {  	s19 =	simm.s32 $0xB;
	[sflag:s7] =	ssyncadd.s32 $0xFFFFE700  }
0xef: {  	_ =	swait.ge [sflag:s19], $0x1900  }
0xf0: {  	[sflag:s19] =	ssyncset.done $0x0  }
0xf1: {  	s23 =	simm.s32 $0xC;
	[sflag:s19] =	ssyncadd.s32 $0xFFFFE700  }
0xf2: {  	_ =	swait.ge [sflag:s23], $0x1900  }
0xf3: {  	[sflag:s23] =	ssyncset.done $0x0  }
0xf4: {  	[sflag:s23] =	ssyncadd.s32 $0xFFFFE700  }
0xf5: {  	[bflag:$0x0] =	sbarrier.arrive $0xFFFF  }
0xf6: {  	s17 =	rddreg [dreg:$0xc]  }
0xf7: {  	s24 =	rddreg [dreg:$0x12]  }
0xf8: {  	s6 =	simm.s32 $0xD;
	s25 =	rddreg [dreg:$0x15]  }
0xf9: {  	[hbm:s24], [sflag:s17] =	dma.local [spmem:s25], $0x30E0  }
0xfa: {  	_ =	swait.ge [sflag:s6], $0x30E0  }
0xfb: {  	s26 =	rddreg [dreg:$0x14]  }
0xfc: {  	s31 =	rddreg [dreg:$0x11];
	s0 =	sadd.s32 $0x1, s26  }
0xfd: {  	p0 =	sne.s32 s0, s31  }
.Ltmp1:
0xfe: {  	_ = 	snop;
	(pc) =	sbr.rel @p0 .LBB2_1-.Ltmp1, $4  }
0xff: {  	_ = 	snop  }
0x100: {  	s12 =	simm.s32 $0x18958;
	s18 =	simm.s32 $0x1BF40  }
0x101: {  	s19 =	simm.s32 $0x18BB0;
	s24 =	simm.s32 $0x1D840;
	[sflag:s6] =	ssyncset.done $0x0  }
0x102: {  	s25 =	simm.s32 $0x18C78;
	[sflag:s6] =	ssyncadd.s32 $0xFFFFCF20;
	s26 =	simm.s32 $0x18700  }
0x103: {  	_ =	sfence.sel $0x180000  }
0x104: {  	[bflag:$0x0] =	sbarrier.arrive $0xFFFF  }
0x105: {  	_ =	strace $0x90000047  }
0x106: {  	s0 =	stileid.u32;
	[bflag:$0x2] =	sbarrier.arrive $0xFFFF  }
0x107: {  	p0 =	sne.s32 s0, $0x0;
	s0 =	rddreg [dreg:$0x3]  }
0x108: {  	s0 =	sadd.s32 @!p0 $0x100000, s0  }
0x109: {  	[sflag:s0] =	ssyncadd.tile.s32 @!p0 $0x1;
	_ =	shalt  }
.Lfunc_end2:
_tile_overlayer_lowered:
.L_overlay_start_2:
0x10a: {  	(tag) =	ssettag $0x2  }
0x10b: {  	s0 =	rddreg [dreg:$0x0];
	s2 =	stileid.u32  }
0x10c: {  	s1 =	rddreg [dreg:$0x1];
	p0 =	sne.s32 s2, $0x0  }
0x10d: {  	s3 =	rddreg [dreg:$0x2];
	[bflag:$0x3] =	sbarrier.arrive $0xFFFF;
	s2 =	simm.s32 @!p0 $0x1C0D  }
0x10e: {  	[timem:s3], [sflag:s2] =	dma.local @!p0 [hbm:s0], s1  }
0x10f: {  	s0 =	simm.s32 @!p0 $0xD  }
0x110: {  	_ =	swait.ge @!p0 [sflag:s0], s1  }
0x111: {  	s1 =	ssub.s32 @!p0 $0x0, s1;
	[sflag:s0] =	ssyncset.done @!p0 $0x0  }
0x112: {  	[sflag:s0] =	ssyncadd.s32 @!p0 s1  }
0x113: {  	[bflag:$0x3] =	sbarrier.arrive $0xFFFF  }
0x114: {  	_ =	shalt  }

</sc_bundles>
